<compile_context>
chip_gen: v7x
topology: tpu7x:2x2x1
jax: 0.10.2.dev20260603
libtpu: 0.0.44.dev20260713+nightly
codegen_flags: <defaults>
</compile_context>

<pallas_src>
import functools

import jax
import jax.numpy as jnp
from jax import lax
from jax.experimental import pallas as pl
from jax.experimental.pallas import tpu as pltpu
from jax.experimental.pallas import tpu_sc as plsc

N = 10000
M = 5000
E = 320000
D = 128
DH = D // 2

NC = 2
NS = 16
CHUNK = 128
EPT = E // NS
EPT_PAD = ((EPT + CHUNK - 1) // CHUNK) * CHUNK
NCHUNK = EPT_PAD // CHUNK
E_PAD = NS * EPT_PAD

MP = 5120
NP = 10240


NBUF = 2


def _sc_segment_sum(op_rows, table, src2_idx, dst_idx):
    zrows = op_rows // NS
    zchunks = zrows // 64

    mesh = plsc.VectorSubcoreMesh(core_axis_name="c", subcore_axis_name="s")

    @functools.partial(
        pl.kernel,
        out_type=jax.ShapeDtypeStruct((NC, op_rows, DH), jnp.float32),
        mesh=mesh,
        compiler_params=pltpu.CompilerParams(use_tc_tiling_on_sc=False),
        scratch_types=[
            pltpu.VMEM((NCHUNK, CHUNK), jnp.int32),
            pltpu.VMEM((NCHUNK, CHUNK), jnp.int32),
            [pltpu.VMEM((CHUNK, DH), jnp.float32)] * NBUF,
            pltpu.VMEM((64, DH), jnp.float32),
            pltpu.VMEM_SHARED((op_rows, DH), jnp.float32),
            [pltpu.SemaphoreType.DMA] * NBUF,
        ],
    )
    def k(table_h, src_h, dst_h, out_h, srcv, dstv, rows, zv, acc, gsem):
        c = lax.axis_index("c")
        s = lax.axis_index("s")

        def zrow(r, _):
            def zcol(q, _):
                zv[r, pl.ds(q * 16, 16)] = jnp.zeros((16,), jnp.float32)
                return 0
            return lax.fori_loop(0, DH // 16, zcol, 0)
        lax.fori_loop(0, 64, zrow, 0)

        zbase = s * zrows

        def zcp(j, _):
            pltpu.sync_copy(zv, acc.at[pl.ds(zbase + j * 64, 64)])
            return 0
        lax.fori_loop(0, zchunks, zcp, 0)

        pltpu.sync_copy(src_h.at[s], srcv)
        pltpu.sync_copy(dst_h.at[s], dstv)

        def fixrow(j, _):
            def fixcol(q, _):
                sl = pl.ds(q * 16, 16)
                srcv[j, sl] = srcv[j, sl] + c
                return 0
            return lax.fori_loop(0, CHUNK // 16, fixcol, 0)
        lax.fori_loop(0, NCHUNK, fixrow, 0)
        plsc.subcore_barrier()

        def gath(j, b):
            return pltpu.make_async_copy(table_h.at[srcv.at[j]], rows[b],
                                         gsem[b])

        gath(0, 0).start()

        def step(j, _):
            even = lax.rem(j, 2) == 0

            @pl.when(jnp.logical_and(j + 1 < NCHUNK, even))
            def _():
                gath(j + 1, 1).start()

            @pl.when(jnp.logical_and(j + 1 < NCHUNK, jnp.logical_not(even)))
            def _():
                gath(j + 1, 0).start()

            @pl.when(even)
            def _():
                gath(j, 0).wait()
                pltpu.sync_copy(rows[0], acc.at[dstv.at[j]], add=True)

            @pl.when(jnp.logical_not(even))
            def _():
                gath(j, 1).wait()
                pltpu.sync_copy(rows[1], acc.at[dstv.at[j]], add=True)

            return 0

        lax.fori_loop(0, NCHUNK, step, 0)
        plsc.subcore_barrier()

        def ocp(j, _):
            pltpu.sync_copy(acc.at[pl.ds(zbase + j * 64, 64)],
                            out_h.at[c, pl.ds(zbase + j * 64, 64)])
            return 0
        lax.fori_loop(0, zchunks, ocp, 0)

    return k(table.reshape(2 * table.shape[0], DH), src2_idx, dst_idx)


def _tc_prescale(x, w_col):
    rows = x.shape[0]
    blk = 1000
    grid = rows // blk

    def body(x_ref, w_ref, o_ref):
        o_ref[...] = x_ref[...] * w_ref[...]

    return pl.pallas_call(
        body,
        grid=(grid,),
        in_specs=[
            pl.BlockSpec((blk, D), lambda i: (i, 0)),
            pl.BlockSpec((blk, 1), lambda i: (i, 0)),
        ],
        out_specs=pl.BlockSpec((blk, D), lambda i: (i, 0)),
        out_shape=jax.ShapeDtypeStruct((rows, D), jnp.float32),
    )(x, w_col)


def _tc_finish(h0, h1, rsum, rw, W, b, want_scaled):
    rows = h0.shape[0]
    blk = 1000
    grid = rows // blk

    def body(h0_ref, h1_ref, rs_ref, rw_ref, w_ref, b_ref, o1_ref, o2_ref):
        acc = jnp.concatenate([h0_ref[...], h1_ref[...]], axis=1)
        x = acc / rs_ref[...]
        y = jnp.dot(x, w_ref[...], preferred_element_type=jnp.float32)
        y = jnp.maximum(y + b_ref[...], 0.0)
        o1_ref[...] = y
        o2_ref[...] = y * rw_ref[...]

    def body_single(h0_ref, h1_ref, rs_ref, w_ref, b_ref, o1_ref):
        acc = jnp.concatenate([h0_ref[...], h1_ref[...]], axis=1)
        x = acc / rs_ref[...]
        y = jnp.dot(x, w_ref[...], preferred_element_type=jnp.float32)
        y = jnp.maximum(y + b_ref[...], 0.0)
        o1_ref[...] = y

    half_spec = pl.BlockSpec((blk, DH), lambda i: (i, 0))
    row_spec = pl.BlockSpec((blk, D), lambda i: (i, 0))
    col_spec = pl.BlockSpec((blk, 1), lambda i: (i, 0))
    w_spec = pl.BlockSpec((D, D), lambda i: (0, 0))
    b_spec = pl.BlockSpec((1, D), lambda i: (0, 0))

    if want_scaled:
        return pl.pallas_call(
            body,
            grid=(grid,),
            in_specs=[half_spec, half_spec, col_spec, col_spec, w_spec, b_spec],
            out_specs=[row_spec, row_spec],
            out_shape=[jax.ShapeDtypeStruct((rows, D), jnp.float32),
                       jax.ShapeDtypeStruct((rows, D), jnp.float32)],
        )(h0, h1, rsum, rw, W, b)
    return pl.pallas_call(
        body_single,
        grid=(grid,),
        in_specs=[half_spec, half_spec, col_spec, w_spec, b_spec],
        out_specs=row_spec,
        out_shape=jax.ShapeDtypeStruct((rows, D), jnp.float32),
    )(h0, h1, rsum, W, b)


def _pad_idx(src, dst, junk_row):
    pad = E_PAD - E
    src2 = jnp.concatenate([src * 2, jnp.zeros((pad,), jnp.int32)])
    dst_p = jnp.concatenate([dst, jnp.full((pad,), junk_row, jnp.int32)])
    return (src2.reshape(NS, NCHUNK, CHUNK), dst_p.reshape(NS, NCHUNK, CHUNK))


def kernel(vfeat, efeat, v_reg_weight, v_reg_sum, e_reg_weight, e_reg_sum,
           g1_src, g1_dst, g2_src, g2_dst, W_ve, b_ve, W_ev, b_ev):
    g1s, g1d = _pad_idx(g1_src, g1_dst, MP - 1)
    g2s, g2d = _pad_idx(g2_src, g2_dst, NP - 1)
    b_ve2 = b_ve.reshape(1, D)
    b_ev2 = b_ev.reshape(1, D)

    scaled_vfeat = _tc_prescale(vfeat, v_reg_weight)
    p1 = _sc_segment_sum(MP, scaled_vfeat, g1s, g1d)
    efeat_new, scaled_efeat = _tc_finish(
        p1[0, :M], p1[1, :M], e_reg_sum, e_reg_weight, W_ve, b_ve2, True)

    p2 = _sc_segment_sum(NP, scaled_efeat, g2s, g2d)
    vfeat_new = _tc_finish(
        p2[0, :N], p2[1, :N], v_reg_sum, None, W_ev, b_ev2, False)

    return (vfeat_new, efeat_new)

# --- scband reference (transcript-rebuilt; emitter-appended) ---
"""Pipeline reference for scband-hnhnlayer-2576980378148 (READ-ONLY COPY).

The authoritative reference and input builder live on the scoring server;
editing this copy changes nothing except your own understanding.
"""

import jax, jax.numpy as jnp
import numpy as np

N = 10000   # num vertices
M = 5000    # num hyperedges
E = 320000  # num incidence pairs
D = 128     # feature dim (input_vdim = input_edim = vertex_dim = edge_dim)


def setup_inputs(seed: int = 0) -> dict:
    key = jax.random.key(seed)
    ks = jax.random.split(key, 14)
    vfeat = jax.random.normal(ks[0], (N, D), dtype=jnp.float32)
    efeat = jax.random.normal(ks[1], (M, D), dtype=jnp.float32)
    # regularization weights / sums (positive; sums offset away from 0 to keep division stable)
    v_reg_weight = jax.random.uniform(ks[2], (N, 1), dtype=jnp.float32)
    v_reg_sum = jax.random.uniform(ks[3], (N, 1), dtype=jnp.float32) + 0.5
    e_reg_weight = jax.random.uniform(ks[4], (M, 1), dtype=jnp.float32)
    e_reg_sum = jax.random.uniform(ks[5], (M, 1), dtype=jnp.float32) + 0.5
    # g1: bipartite node -> hyperedge ('in' etype); g2: hyperedge -> node ('con' etype)
    g1_src = jax.random.randint(ks[6], (E,), 0, N, dtype=jnp.int32)
    g1_dst = jax.random.randint(ks[7], (E,), 0, M, dtype=jnp.int32)
    g2_src = jax.random.randint(ks[8], (E,), 0, M, dtype=jnp.int32)
    g2_dst = jax.random.randint(ks[9], (E,), 0, N, dtype=jnp.int32)
    # learned params (xavier-normal-like init)
    s = float(np.sqrt(2.0 / (D + D)) * np.sqrt(2.0))
    W_ve = jax.random.normal(ks[10], (D, D), dtype=jnp.float32) * s
    b_ve = jnp.zeros((D,), dtype=jnp.float32)
    W_ev = jax.random.normal(ks[11], (D, D), dtype=jnp.float32) * s
    b_ev = jnp.zeros((D,), dtype=jnp.float32)
    return {
        'vfeat': vfeat, 'efeat': efeat,
        'v_reg_weight': v_reg_weight, 'v_reg_sum': v_reg_sum,
        'e_reg_weight': e_reg_weight, 'e_reg_sum': e_reg_sum,
        'g1_src': g1_src, 'g1_dst': g1_dst,
        'g2_src': g2_src, 'g2_dst': g2_dst,
        'W_ve': W_ve, 'b_ve': b_ve, 'W_ev': W_ev, 'b_ev': b_ev,
    }


def reference(vfeat, efeat, v_reg_weight, v_reg_sum, e_reg_weight, e_reg_sum,
              g1_src, g1_dst, g2_src, g2_dst, W_ve, b_ve, W_ev, b_ev):
    # ---- phase 1: vertex -> hyperedge over g1 ('in') ----
    # weight_fn: edge weight = src reg_weight / dst reg_sum
    w1 = jnp.take(v_reg_weight, g1_src, axis=0) / jnp.take(e_reg_sum, g1_dst, axis=0)  # [E,1]
    # message: Wh = src vfeat; reduce: sum(weight * Wh) over dst hyperedge
    msg1 = w1 * jnp.take(vfeat, g1_src, axis=0)                                        # [E,D]
    norm_vfeat = jax.ops.segment_sum(msg1, g1_dst, num_segments=M)                      # [M,D]
    # ve_lin + relu  (use_efeat=False -> no efeat_lin branch)
    efeat_new = jax.nn.relu(norm_vfeat @ W_ve + b_ve)                                   # [M,D]
    # ---- phase 2: hyperedge -> vertex over g2 ('con') ----
    w2 = jnp.take(e_reg_weight, g2_src, axis=0) / jnp.take(v_reg_sum, g2_dst, axis=0)  # [E,1]
    msg2 = w2 * jnp.take(efeat_new, g2_src, axis=0)                                    # [E,D]
    norm_efeat = jax.ops.segment_sum(msg2, g2_dst, num_segments=N)                      # [N,D]
    vfeat_new = jax.nn.relu(norm_efeat @ W_ev + b_ev)                                   # [N,D]
    # dropout is identity in eval mode
    return (vfeat_new, efeat_new)

if __name__ == "__main__":
    import jax
    _d = setup_inputs()
    print(jax.jit(kernel)(*tuple(_d.values())))

</pallas_src>

<mosaic_0001>
#map = affine_map<(d0, d1) -> (0, 0)>
#map1 = affine_map<(d0, d1) -> (0, 0, 0)>
module attributes {stable_mosaic.version = 14 : i64} {
  func.func @k(%arg0: i32, %arg1: i32, %arg2: memref<20000x64xf32, #tpu.memory_space<hbm>>, %arg3: memref<16x157x128xi32, #tpu.memory_space<hbm>>, %arg4: memref<16x157x128xi32, #tpu.memory_space<hbm>>, %arg5: memref<2x5120x64xf32, #tpu.memory_space<hbm>>, %arg6: memref<157x128xi32, #tpu.memory_space<vmem>>, %arg7: memref<157x128xi32, #tpu.memory_space<vmem>>, %arg8: memref<128x64xf32, #tpu.memory_space<vmem>>, %arg9: memref<128x64xf32, #tpu.memory_space<vmem>>, %arg10: memref<64x64xf32, #tpu.memory_space<vmem>>, %arg11: memref<5120x64xf32, #tpu.memory_space<vmem_shared>>, %arg12: memref<!tpu.dma_semaphore, #tpu.memory_space<semaphore_mem>>, %arg13: memref<!tpu.dma_semaphore, #tpu.memory_space<semaphore_mem>>) attributes {dimension_semantics = [#tpu.dimension_semantics<core_parallel>, #tpu.dimension_semantics<subcore_parallel>], iteration_bounds = array<i64: 2, 16>, scalar_prefetch = 0 : i64, scratch_operands = 8 : i64, tpu.core_type = #tpu.core_type<sc_vector_subcore>, window_params = [{transform_indices = #map}, {transform_indices = #map1}, {transform_indices = #map1}, {transform_indices = #map1}]} {
    %scan3A = arith.constant 0 : i32
    %scan3A_0 = arith.constant 0 : i32
    %scan3A_1 = arith.constant 64 : i32
    %scan3A_2 = arith.addi %scan3A_0, %scan3A_1 : i32
    %scan3A_3 = arith.constant 1 : i32
    %scan3A_4 = scf.for %scan3A_42 = %scan3A_0 to %scan3A_2 step %scan3A_3 iter_args(%scan3A_43 = %scan3A) -> (i32)  : i32 {
      %scan3A_44 = arith.constant 0 : i32
      %scan3A_45 = arith.constant 0 : i32
      %scan3A_46 = arith.constant 4 : i32
      %scan3A_47 = arith.addi %scan3A_45, %scan3A_46 : i32
      %scan3A_48 = arith.constant 1 : i32
      %scan3A_49 = scf.for %scan3A_51 = %scan3A_45 to %scan3A_47 step %scan3A_48 iter_args(%scan3A_52 = %scan3A_44) -> (i32)  : i32 {
        %broadcast_in_dim3A = arith.constant 0.000000e+00 : f32
        %broadcast_in_dim3A_53 = vector.broadcast %broadcast_in_dim3A : f32 to vector<16xf32>
        %mul3A_54 = arith.constant 16 : i32
        %mul3A_55 = arith.muli %scan3A_51, %mul3A_54 : i32
        %swap3A = arith.index_cast %scan3A_42 : i32 to index
        %swap3A_56 = arith.index_cast %mul3A_55 : i32 to index
        %swap3A_57 = tpu.vector_load %arg10[%swap3A, %swap3A_56] {strides = array<i32>} : memref<64x64xf32, #tpu.memory_space<vmem>>, vector<1x16xf32>,
        %swap3A_58 = vector.shape_cast %swap3A_57 : vector<1x16xf32> to vector<16xf32>
        %swap3A_59 = vector.shape_cast %broadcast_in_dim3A_53 : vector<16xf32> to vector<1x16xf32>
        tpu.vector_store %arg10[%swap3A, %swap3A_56], %swap3A_59 {strides = array<i32>} : memref<64x64xf32, #tpu.memory_space<vmem>>, vector<1x16xf32>,
        %scan3A_60 = arith.constant 0 : i32
        scf.yield %scan3A_60 : i32
      }
      %scan3A_50 = arith.constant 4 : i32
      scf.yield %scan3A_49 : i32
    }
    %scan3A_5 = arith.constant 64 : i32
    %mul3A = arith.constant 320 : i32
    %mul3A_6 = arith.muli %arg1, %mul3A : i32
    %scan3A_7 = arith.constant 0 : i32
    %scan3A_8 = arith.constant 0 : i32
    %scan3A_9 = arith.constant 5 : i32
    %scan3A_10 = arith.addi %scan3A_8, %scan3A_9 : i32
    %scan3A_11 = arith.constant 1 : i32
    %scan3A_12 = scf.for %scan3A_42 = %scan3A_8 to %scan3A_10 step %scan3A_11 iter_args(%scan3A_43 = %scan3A_7) -> (i32)  : i32 {
      %mul3A_44 = arith.constant 64 : i32
      %mul3A_45 = arith.muli %scan3A_42, %mul3A_44 : i32
      %add3A = arith.addi %mul3A_6, %mul3A_45 : i32
      "tpu.region"() ({
        %run_scoped3A = tpu.sem_alloc : memref<!tpu.dma_semaphore, #tpu.memory_space<semaphore_mem>>
        %dma_start3A_47 = arith.constant 0 : i32
        %dma_start3A_48 = tpu.memref_slice %arg11[%add3A, %dma_start3A_47] : memref<5120x64xf32, #tpu.memory_space<vmem_shared>> -> memref<64x64xf32, #tpu.memory_space<vmem_shared>>
        %dma_start3A_49 = arith.constant 0 : i32
        %dma_start3A_50 = tpu.memref_slice %arg11[%add3A, %dma_start3A_49] : memref<5120x64xf32, #tpu.memory_space<vmem_shared>> -> memref<64x64xf32, #tpu.memory_space<vmem_shared>>
        tpu.enqueue_dma source(%arg10 : memref<64x64xf32, #tpu.memory_space<vmem>>) target(%dma_start3A_50 : memref<64x64xf32, #tpu.memory_space<vmem_shared>>) target_semaphore(%run_scoped3A : memref<!tpu.dma_semaphore, #tpu.memory_space<semaphore_mem>>)
        %dma_wait3A = arith.constant 0 : i32
        %dma_wait3A_51 = tpu.memref_slice %arg11[%add3A, %dma_wait3A] : memref<5120x64xf32, #tpu.memory_space<vmem_shared>> -> memref<64x64xf32, #tpu.memory_space<vmem_shared>>
        %dma_wait3A_52 = arith.constant 0 : i32
        %dma_wait3A_53 = tpu.memref_slice %arg11[%add3A, %dma_wait3A_52] : memref<5120x64xf32, #tpu.memory_space<vmem_shared>> -> memref<64x64xf32, #tpu.memory_space<vmem_shared>>
        tpu.wait_dma2 semaphore(%run_scoped3A : memref<!tpu.dma_semaphore, #tpu.memory_space<semaphore_mem>>) src(%arg10 : memref<64x64xf32, #tpu.memory_space<vmem>>) dst(%dma_wait3A_53 : memref<64x64xf32, #tpu.memory_space<vmem_shared>>)
        tpu.yield
      }) : () -> ()
      %scan3A_46 = arith.constant 0 : i32
      scf.yield %scan3A_46 : i32
    }
    %scan3A_13 = arith.constant 5 : i32
    "tpu.region"() ({
      %run_scoped3A = tpu.sem_alloc : memref<!tpu.dma_semaphore, #tpu.memory_space<semaphore_mem>>
      %dma_start3A_42 = arith.constant 0 : i32
      %dma_start3A_43 = arith.constant 0 : i32
      %dma_start3A_44 = tpu.memref_slice %arg3[%arg1, %dma_start3A_42, %dma_start3A_43] : memref<16x157x128xi32, #tpu.memory_space<hbm>> -> memref<1x157x128xi32, #tpu.memory_space<hbm>>
      %dma_start3A_45 = tpu.memref_squeeze %dma_start3A_44 : memref<1x157x128xi32, #tpu.memory_space<hbm>> -> memref<157x128xi32, #tpu.memory_space<hbm>>
      %dma_start3A_46 = arith.constant 0 : i32
      %dma_start3A_47 = arith.constant 0 : i32
      %dma_start3A_48 = tpu.memref_slice %arg3[%arg1, %dma_start3A_46, %dma_start3A_47] : memref<16x157x128xi32, #tpu.memory_space<hbm>> -> memref<1x157x128xi32, #tpu.memory_space<hbm>>
      %dma_start3A_49 = tpu.memref_squeeze %dma_start3A_48 : memref<1x157x128xi32, #tpu.memory_space<hbm>> -> memref<157x128xi32, #tpu.memory_space<hbm>>
      tpu.enqueue_dma source(%dma_start3A_49 : memref<157x128xi32, #tpu.memory_space<hbm>>) target(%arg6 : memref<157x128xi32, #tpu.memory_space<vmem>>) target_semaphore(%run_scoped3A : memref<!tpu.dma_semaphore, #tpu.memory_space<semaphore_mem>>)
      %dma_wait3A = arith.constant 0 : i32
      %dma_wait3A_50 = arith.constant 0 : i32
      %dma_wait3A_51 = tpu.memref_slice %arg3[%arg1, %dma_wait3A, %dma_wait3A_50] : memref<16x157x128xi32, #tpu.memory_space<hbm>> -> memref<1x157x128xi32, #tpu.memory_space<hbm>>
      %dma_wait3A_52 = tpu.memref_squeeze %dma_wait3A_51 : memref<1x157x128xi32, #tpu.memory_space<hbm>> -> memref<157x128xi32, #tpu.memory_space<hbm>>
      %dma_wait3A_53 = arith.constant 0 : i32
      %dma_wait3A_54 = arith.constant 0 : i32
      %dma_wait3A_55 = tpu.memref_slice %arg3[%arg1, %dma_wait3A_53, %dma_wait3A_54] : memref<16x157x128xi32, #tpu.memory_space<hbm>> -> memref<1x157x128xi32, #tpu.memory_space<hbm>>
      %dma_wait3A_56 = tpu.memref_squeeze %dma_wait3A_55 : memref<1x157x128xi32, #tpu.memory_space<hbm>> -> memref<157x128xi32, #tpu.memory_space<hbm>>
      tpu.wait_dma2 semaphore(%run_scoped3A : memref<!tpu.dma_semaphore, #tpu.memory_space<semaphore_mem>>) src(%dma_wait3A_56 : memref<157x128xi32, #tpu.memory_space<hbm>>) dst(%arg6 : memref<157x128xi32, #tpu.memory_space<vmem>>)
      tpu.yield
    }) : () -> ()
    "tpu.region"() ({
      %run_scoped3A = tpu.sem_alloc : memref<!tpu.dma_semaphore, #tpu.memory_space<semaphore_mem>>
      %dma_start3A_42 = arith.constant 0 : i32
      %dma_start3A_43 = arith.constant 0 : i32
      %dma_start3A_44 = tpu.memref_slice %arg4[%arg1, %dma_start3A_42, %dma_start3A_43] : memref<16x157x128xi32, #tpu.memory_space<hbm>> -> memref<1x157x128xi32, #tpu.memory_space<hbm>>
      %dma_start3A_45 = tpu.memref_squeeze %dma_start3A_44 : memref<1x157x128xi32, #tpu.memory_space<hbm>> -> memref<157x128xi32, #tpu.memory_space<hbm>>
      %dma_start3A_46 = arith.constant 0 : i32
      %dma_start3A_47 = arith.constant 0 : i32
      %dma_start3A_48 = tpu.memref_slice %arg4[%arg1, %dma_start3A_46, %dma_start3A_47] : memref<16x157x128xi32, #tpu.memory_space<hbm>> -> memref<1x157x128xi32, #tpu.memory_space<hbm>>
      %dma_start3A_49 = tpu.memref_squeeze %dma_start3A_48 : memref<1x157x128xi32, #tpu.memory_space<hbm>> -> memref<157x128xi32, #tpu.memory_space<hbm>>
      tpu.enqueue_dma source(%dma_start3A_49 : memref<157x128xi32, #tpu.memory_space<hbm>>) target(%arg7 : memref<157x128xi32, #tpu.memory_space<vmem>>) target_semaphore(%run_scoped3A : memref<!tpu.dma_semaphore, #tpu.memory_space<semaphore_mem>>)
      %dma_wait3A = arith.constant 0 : i32
      %dma_wait3A_50 = arith.constant 0 : i32
      %dma_wait3A_51 = tpu.memref_slice %arg4[%arg1, %dma_wait3A, %dma_wait3A_50] : memref<16x157x128xi32, #tpu.memory_space<hbm>> -> memref<1x157x128xi32, #tpu.memory_space<hbm>>
      %dma_wait3A_52 = tpu.memref_squeeze %dma_wait3A_51 : memref<1x157x128xi32, #tpu.memory_space<hbm>> -> memref<157x128xi32, #tpu.memory_space<hbm>>
      %dma_wait3A_53 = arith.constant 0 : i32
      %dma_wait3A_54 = arith.constant 0 : i32
      %dma_wait3A_55 = tpu.memref_slice %arg4[%arg1, %dma_wait3A_53, %dma_wait3A_54] : memref<16x157x128xi32, #tpu.memory_space<hbm>> -> memref<1x157x128xi32, #tpu.memory_space<hbm>>
      %dma_wait3A_56 = tpu.memref_squeeze %dma_wait3A_55 : memref<1x157x128xi32, #tpu.memory_space<hbm>> -> memref<157x128xi32, #tpu.memory_space<hbm>>
      tpu.wait_dma2 semaphore(%run_scoped3A : memref<!tpu.dma_semaphore, #tpu.memory_space<semaphore_mem>>) src(%dma_wait3A_56 : memref<157x128xi32, #tpu.memory_space<hbm>>) dst(%arg7 : memref<157x128xi32, #tpu.memory_space<vmem>>)
      tpu.yield
    }) : () -> ()
    %scan3A_14 = arith.constant 0 : i32
    %scan3A_15 = arith.constant 0 : i32
    %scan3A_16 = arith.constant 157 : i32
    %scan3A_17 = arith.addi %scan3A_15, %scan3A_16 : i32
    %scan3A_18 = arith.constant 1 : i32
    %scan3A_19 = scf.for %scan3A_42 = %scan3A_15 to %scan3A_17 step %scan3A_18 iter_args(%scan3A_43 = %scan3A_14) -> (i32)  : i32 {
      %scan3A_44 = arith.constant 0 : i32
      %scan3A_45 = arith.constant 0 : i32
      %scan3A_46 = arith.constant 8 : i32
      %scan3A_47 = arith.addi %scan3A_45, %scan3A_46 : i32
      %scan3A_48 = arith.constant 1 : i32
      %scan3A_49 = scf.for %scan3A_51 = %scan3A_45 to %scan3A_47 step %scan3A_48 iter_args(%scan3A_52 = %scan3A_44) -> (i32)  : i32 {
        %mul3A_53 = arith.constant 16 : i32
        %mul3A_54 = arith.muli %scan3A_51, %mul3A_53 : i32
        %get3A = arith.index_cast %scan3A_42 : i32 to index
        %get3A_55 = arith.index_cast %mul3A_54 : i32 to index
        %get3A_56 = tpu.vector_load %arg6[%get3A, %get3A_55] {strides = array<i32>} : memref<157x128xi32, #tpu.memory_space<vmem>>, vector<1x16xi32>,
        %get3A_57 = vector.shape_cast %get3A_56 : vector<1x16xi32> to vector<16xi32>
        %add3A = vector.broadcast %arg0 : i32 to vector<16xi32>
        %add3A_58 = arith.addi %get3A_57, %add3A : vector<16xi32>
        %swap3A = arith.index_cast %scan3A_42 : i32 to index
        %swap3A_59 = arith.index_cast %mul3A_54 : i32 to index
        %swap3A_60 = tpu.vector_load %arg6[%swap3A, %swap3A_59] {strides = array<i32>} : memref<157x128xi32, #tpu.memory_space<vmem>>, vector<1x16xi32>,
        %swap3A_61 = vector.shape_cast %swap3A_60 : vector<1x16xi32> to vector<16xi32>
        %swap3A_62 = vector.shape_cast %add3A_58 : vector<16xi32> to vector<1x16xi32>
        tpu.vector_store %arg6[%swap3A, %swap3A_59], %swap3A_62 {strides = array<i32>} : memref<157x128xi32, #tpu.memory_space<vmem>>, vector<1x16xi32>,
        %scan3A_63 = arith.constant 0 : i32
        scf.yield %scan3A_63 : i32
      }
      %scan3A_50 = arith.constant 8 : i32
      scf.yield %scan3A_49 : i32
    }
    %scan3A_20 = arith.constant 157 : i32
    %barrier3A = arith.constant 0 : index
    tpu.barrier barrier_id(%barrier3A)
    %dma_start3A = arith.constant 0 : i32
    %dma_start3A_21 = arith.constant 0 : i32
    %dma_start3A_22 = tpu.memref_slice %arg6[%dma_start3A, %dma_start3A_21] : memref<157x128xi32, #tpu.memory_space<vmem>> -> memref<1x128xi32, #tpu.memory_space<vmem>>
    %dma_start3A_23 = tpu.memref_squeeze %dma_start3A_22 : memref<1x128xi32, #tpu.memory_space<vmem>> -> memref<128xi32, #tpu.memory_space<vmem>>
    %dma_start3A_24 = arith.constant 0 : i32
    %dma_start3A_25 = arith.constant 0 : i32
    %dma_start3A_26 = tpu.memref_slice %arg2[%dma_start3A_24, %dma_start3A_25] : memref<20000x64xf32, #tpu.memory_space<hbm>> -> memref<20000x64xf32, #tpu.memory_space<hbm>>
    tpu.enqueue_indirect_dma source(%dma_start3A_26 : memref<20000x64xf32, #tpu.memory_space<hbm>>) target(%arg8 : memref<128x64xf32, #tpu.memory_space<vmem>>) offsets(%dma_start3A_23 : memref<128xi32, #tpu.memory_space<vmem>>) semaphore(%arg12 : memref<!tpu.dma_semaphore, #tpu.memory_space<semaphore_mem>>)
    %scan3A_27 = arith.constant 0 : i32
    %scan3A_28 = arith.constant 0 : i32
    %scan3A_29 = arith.constant 157 : i32
    %scan3A_30 = arith.addi %scan3A_28, %scan3A_29 : i32
    %scan3A_31 = arith.constant 1 : i32
    %scan3A_32 = scf.for %scan3A_42 = %scan3A_28 to %scan3A_30 step %scan3A_31 iter_args(%scan3A_43 = %scan3A_27) -> (i32)  : i32 {
      %rem3A = arith.constant 2 : i32
      %rem3A_44 = arith.remsi %scan3A_42, %rem3A : i32
      %eq3A = arith.constant 0 : i32
      %eq3A_45 = arith.cmpi eq, %rem3A_44, %eq3A : i32
      %add3A = arith.constant 1 : i32
      %add3A_46 = arith.addi %scan3A_42, %add3A : i32
      %lt3A = arith.constant 157 : i32
      %lt3A_47 = arith.cmpi slt, %add3A_46, %lt3A : i32
      %and3A = arith.andi %lt3A_47, %eq3A_45 : i1
      %convert_element_type3A = arith.extui %and3A : i1 to i32
      %cond3A = arith.constant 0 : i32
      %cond3A_48 = arith.cmpi ne, %convert_element_type3A, %cond3A : i32
      scf.if %cond3A_48 {
        %add3A_67 = arith.constant 1 : i32
        %add3A_68 = arith.addi %scan3A_42, %add3A_67 : i32
        %dma_start3A_69 = arith.constant 0 : i32
        %dma_start3A_70 = tpu.memref_slice %arg6[%add3A_68, %dma_start3A_69] : memref<157x128xi32, #tpu.memory_space<vmem>> -> memref<1x128xi32, #tpu.memory_space<vmem>>
        %dma_start3A_71 = tpu.memref_squeeze %dma_start3A_70 : memref<1x128xi32, #tpu.memory_space<vmem>> -> memref<128xi32, #tpu.memory_space<vmem>>
        %dma_start3A_72 = arith.constant 0 : i32
        %dma_start3A_73 = arith.constant 0 : i32
        %dma_start3A_74 = tpu.memref_slice %arg2[%dma_start3A_72, %dma_start3A_73] : memref<20000x64xf32, #tpu.memory_space<hbm>> -> memref<20000x64xf32, #tpu.memory_space<hbm>>
        tpu.enqueue_indirect_dma source(%dma_start3A_74 : memref<20000x64xf32, #tpu.memory_space<hbm>>) target(%arg9 : memref<128x64xf32, #tpu.memory_space<vmem>>) offsets(%dma_start3A_71 : memref<128xi32, #tpu.memory_space<vmem>>) semaphore(%arg13 : memref<!tpu.dma_semaphore, #tpu.memory_space<semaphore_mem>>)
      } else {
      }
      %add3A_49 = arith.constant 1 : i32
      %add3A_50 = arith.addi %scan3A_42, %add3A_49 : i32
      %lt3A_51 = arith.constant 157 : i32
      %lt3A_52 = arith.cmpi slt, %add3A_50, %lt3A_51 : i32
      %not3A = arith.constant true
      %not3A_53 = arith.xori %eq3A_45, %not3A : i1
      %and3A_54 = arith.andi %lt3A_52, %not3A_53 : i1
      %convert_element_type3A_55 = arith.extui %and3A_54 : i1 to i32
      %cond3A_56 = arith.constant 0 : i32
      %cond3A_57 = arith.cmpi ne, %convert_element_type3A_55, %cond3A_56 : i32
      scf.if %cond3A_57 {
        %add3A_67 = arith.constant 1 : i32
        %add3A_68 = arith.addi %scan3A_42, %add3A_67 : i32
        %dma_start3A_69 = arith.constant 0 : i32
        %dma_start3A_70 = tpu.memref_slice %arg6[%add3A_68, %dma_start3A_69] : memref<157x128xi32, #tpu.memory_space<vmem>> -> memref<1x128xi32, #tpu.memory_space<vmem>>
        %dma_start3A_71 = tpu.memref_squeeze %dma_start3A_70 : memref<1x128xi32, #tpu.memory_space<vmem>> -> memref<128xi32, #tpu.memory_space<vmem>>
        %dma_start3A_72 = arith.constant 0 : i32
        %dma_start3A_73 = arith.constant 0 : i32
        %dma_start3A_74 = tpu.memref_slice %arg2[%dma_start3A_72, %dma_start3A_73] : memref<20000x64xf32, #tpu.memory_space<hbm>> -> memref<20000x64xf32, #tpu.memory_space<hbm>>
        tpu.enqueue_indirect_dma source(%dma_start3A_74 : memref<20000x64xf32, #tpu.memory_space<hbm>>) target(%arg8 : memref<128x64xf32, #tpu.memory_space<vmem>>) offsets(%dma_start3A_71 : memref<128xi32, #tpu.memory_space<vmem>>) semaphore(%arg12 : memref<!tpu.dma_semaphore, #tpu.memory_space<semaphore_mem>>)
      } else {
      }
      %convert_element_type3A_58 = arith.extui %eq3A_45 : i1 to i32
      %cond3A_59 = arith.constant 0 : i32
      %cond3A_60 = arith.cmpi ne, %convert_element_type3A_58, %cond3A_59 : i32
      scf.if %cond3A_60 {
        %dma_wait3A = arith.constant 0 : i32
        %dma_wait3A_67 = tpu.memref_slice %arg6[%scan3A_42, %dma_wait3A] : memref<157x128xi32, #tpu.memory_space<vmem>> -> memref<1x128xi32, #tpu.memory_space<vmem>>
        %dma_wait3A_68 = tpu.memref_squeeze %dma_wait3A_67 : memref<1x128xi32, #tpu.memory_space<vmem>> -> memref<128xi32, #tpu.memory_space<vmem>>
        %dma_wait3A_69 = arith.constant 0 : i32
        %dma_wait3A_70 = arith.constant 0 : i32
        %dma_wait3A_71 = tpu.memref_slice %arg2[%dma_wait3A_69, %dma_wait3A_70] : memref<20000x64xf32, #tpu.memory_space<hbm>> -> memref<20000x64xf32, #tpu.memory_space<hbm>>
        tpu.wait_indirect_dma semaphore(%arg12 : memref<!tpu.dma_semaphore, #tpu.memory_space<semaphore_mem>>) src(%dma_wait3A_71 : memref<20000x64xf32, #tpu.memory_space<hbm>>) dst(%arg8 : memref<128x64xf32, #tpu.memory_space<vmem>>)
        "tpu.region"() ({
          %run_scoped3A = tpu.sem_alloc : memref<!tpu.dma_semaphore, #tpu.memory_space<semaphore_mem>>
          %dma_start3A_72 = arith.constant 0 : i32
          %dma_start3A_73 = tpu.memref_slice %arg7[%scan3A_42, %dma_start3A_72] : memref<157x128xi32, #tpu.memory_space<vmem>> -> memref<1x128xi32, #tpu.memory_space<vmem>>
          %dma_start3A_74 = tpu.memref_squeeze %dma_start3A_73 : memref<1x128xi32, #tpu.memory_space<vmem>> -> memref<128xi32, #tpu.memory_space<vmem>>
          %dma_start3A_75 = arith.constant 0 : i32
          %dma_start3A_76 = arith.constant 0 : i32
          %dma_start3A_77 = tpu.memref_slice %arg11[%dma_start3A_75, %dma_start3A_76] : memref<5120x64xf32, #tpu.memory_space<vmem_shared>> -> memref<5120x64xf32, #tpu.memory_space<vmem_shared>>
          tpu.enqueue_indirect_dma source(%arg8 : memref<128x64xf32, #tpu.memory_space<vmem>>) target(%dma_start3A_77 : memref<5120x64xf32, #tpu.memory_space<vmem_shared>>) offsets(%dma_start3A_74 : memref<128xi32, #tpu.memory_space<vmem>>) semaphore(%run_scoped3A : memref<!tpu.dma_semaphore, #tpu.memory_space<semaphore_mem>>) {add = true}
          %dma_wait3A_78 = arith.constant 0 : i32
          %dma_wait3A_79 = tpu.memref_slice %arg7[%scan3A_42, %dma_wait3A_78] : memref<157x128xi32, #tpu.memory_space<vmem>> -> memref<1x128xi32, #tpu.memory_space<vmem>>
          %dma_wait3A_80 = tpu.memref_squeeze %dma_wait3A_79 : memref<1x128xi32, #tpu.memory_space<vmem>> -> memref<128xi32, #tpu.memory_space<vmem>>
          %dma_wait3A_81 = arith.constant 0 : i32
          %dma_wait3A_82 = arith.constant 0 : i32
          %dma_wait3A_83 = tpu.memref_slice %arg11[%dma_wait3A_81, %dma_wait3A_82] : memref<5120x64xf32, #tpu.memory_space<vmem_shared>> -> memref<5120x64xf32, #tpu.memory_space<vmem_shared>>
          tpu.wait_indirect_dma semaphore(%run_scoped3A : memref<!tpu.dma_semaphore, #tpu.memory_space<semaphore_mem>>) src(%arg8 : memref<128x64xf32, #tpu.memory_space<vmem>>) dst(%dma_wait3A_83 : memref<5120x64xf32, #tpu.memory_space<vmem_shared>>)
          tpu.yield
        }) : () -> ()
      } else {
      }
      %not3A_61 = arith.constant true
      %not3A_62 = arith.xori %eq3A_45, %not3A_61 : i1
      %convert_element_type3A_63 = arith.extui %not3A_62 : i1 to i32
      %cond3A_64 = arith.constant 0 : i32
      %cond3A_65 = arith.cmpi ne, %convert_element_type3A_63, %cond3A_64 : i32
      scf.if %cond3A_65 {
        %dma_wait3A = arith.constant 0 : i32
        %dma_wait3A_67 = tpu.memref_slice %arg6[%scan3A_42, %dma_wait3A] : memref<157x128xi32, #tpu.memory_space<vmem>> -> memref<1x128xi32, #tpu.memory_space<vmem>>
        %dma_wait3A_68 = tpu.memref_squeeze %dma_wait3A_67 : memref<1x128xi32, #tpu.memory_space<vmem>> -> memref<128xi32, #tpu.memory_space<vmem>>
        %dma_wait3A_69 = arith.constant 0 : i32
        %dma_wait3A_70 = arith.constant 0 : i32
        %dma_wait3A_71 = tpu.memref_slice %arg2[%dma_wait3A_69, %dma_wait3A_70] : memref<20000x64xf32, #tpu.memory_space<hbm>> -> memref<20000x64xf32, #tpu.memory_space<hbm>>
        tpu.wait_indirect_dma semaphore(%arg13 : memref<!tpu.dma_semaphore, #tpu.memory_space<semaphore_mem>>) src(%dma_wait3A_71 : memref<20000x64xf32, #tpu.memory_space<hbm>>) dst(%arg9 : memref<128x64xf32, #tpu.memory_space<vmem>>)
        "tpu.region"() ({
          %run_scoped3A = tpu.sem_alloc : memref<!tpu.dma_semaphore, #tpu.memory_space<semaphore_mem>>
          %dma_start3A_72 = arith.constant 0 : i32
          %dma_start3A_73 = tpu.memref_slice %arg7[%scan3A_42, %dma_start3A_72] : memref<157x128xi32, #tpu.memory_space<vmem>> -> memref<1x128xi32, #tpu.memory_space<vmem>>
          %dma_start3A_74 = tpu.memref_squeeze %dma_start3A_73 : memref<1x128xi32, #tpu.memory_space<vmem>> -> memref<128xi32, #tpu.memory_space<vmem>>
          %dma_start3A_75 = arith.constant 0 : i32
          %dma_start3A_76 = arith.constant 0 : i32
          %dma_start3A_77 = tpu.memref_slice %arg11[%dma_start3A_75, %dma_start3A_76] : memref<5120x64xf32, #tpu.memory_space<vmem_shared>> -> memref<5120x64xf32, #tpu.memory_space<vmem_shared>>
          tpu.enqueue_indirect_dma source(%arg9 : memref<128x64xf32, #tpu.memory_space<vmem>>) target(%dma_start3A_77 : memref<5120x64xf32, #tpu.memory_space<vmem_shared>>) offsets(%dma_start3A_74 : memref<128xi32, #tpu.memory_space<vmem>>) semaphore(%run_scoped3A : memref<!tpu.dma_semaphore, #tpu.memory_space<semaphore_mem>>) {add = true}
          %dma_wait3A_78 = arith.constant 0 : i32
          %dma_wait3A_79 = tpu.memref_slice %arg7[%scan3A_42, %dma_wait3A_78] : memref<157x128xi32, #tpu.memory_space<vmem>> -> memref<1x128xi32, #tpu.memory_space<vmem>>
          %dma_wait3A_80 = tpu.memref_squeeze %dma_wait3A_79 : memref<1x128xi32, #tpu.memory_space<vmem>> -> memref<128xi32, #tpu.memory_space<vmem>>
          %dma_wait3A_81 = arith.constant 0 : i32
          %dma_wait3A_82 = arith.constant 0 : i32
          %dma_wait3A_83 = tpu.memref_slice %arg11[%dma_wait3A_81, %dma_wait3A_82] : memref<5120x64xf32, #tpu.memory_space<vmem_shared>> -> memref<5120x64xf32, #tpu.memory_space<vmem_shared>>
          tpu.wait_indirect_dma semaphore(%run_scoped3A : memref<!tpu.dma_semaphore, #tpu.memory_space<semaphore_mem>>) src(%arg9 : memref<128x64xf32, #tpu.memory_space<vmem>>) dst(%dma_wait3A_83 : memref<5120x64xf32, #tpu.memory_space<vmem_shared>>)
          tpu.yield
        }) : () -> ()
      } else {
      }
      %scan3A_66 = arith.constant 0 : i32
      scf.yield %scan3A_66 : i32
    }
    %scan3A_33 = arith.constant 157 : i32
    %barrier3A_34 = arith.constant 0 : index
    tpu.barrier barrier_id(%barrier3A_34)
    %scan3A_35 = arith.constant 0 : i32
    %scan3A_36 = arith.constant 0 : i32
    %scan3A_37 = arith.constant 5 : i32
    %scan3A_38 = arith.addi %scan3A_36, %scan3A_37 : i32
    %scan3A_39 = arith.constant 1 : i32
    %scan3A_40 = scf.for %scan3A_42 = %scan3A_36 to %scan3A_38 step %scan3A_39 iter_args(%scan3A_43 = %scan3A_35) -> (i32)  : i32 {
      %mul3A_44 = arith.constant 64 : i32
      %mul3A_45 = arith.muli %scan3A_42, %mul3A_44 : i32
      %add3A = arith.addi %mul3A_6, %mul3A_45 : i32
      %mul3A_46 = arith.constant 64 : i32
      %mul3A_47 = arith.muli %scan3A_42, %mul3A_46 : i32
      %add3A_48 = arith.addi %mul3A_6, %mul3A_47 : i32
      "tpu.region"() ({
        %run_scoped3A = tpu.sem_alloc : memref<!tpu.dma_semaphore, #tpu.memory_space<semaphore_mem>>
        %dma_start3A_50 = arith.constant 0 : i32
        %dma_start3A_51 = tpu.memref_slice %arg5[%arg0, %add3A_48, %dma_start3A_50] : memref<2x5120x64xf32, #tpu.memory_space<hbm>> -> memref<1x64x64xf32, #tpu.memory_space<hbm>>
        %dma_start3A_52 = tpu.memref_squeeze %dma_start3A_51 : memref<1x64x64xf32, #tpu.memory_space<hbm>> -> memref<64x64xf32, #tpu.memory_space<hbm>>
        %dma_start3A_53 = arith.constant 0 : i32
        %dma_start3A_54 = tpu.memref_slice %arg11[%add3A, %dma_start3A_53] : memref<5120x64xf32, #tpu.memory_space<vmem_shared>> -> memref<64x64xf32, #tpu.memory_space<vmem_shared>>
        tpu.enqueue_dma source(%dma_start3A_54 : memref<64x64xf32, #tpu.memory_space<vmem_shared>>) target(%dma_start3A_52 : memref<64x64xf32, #tpu.memory_space<hbm>>) target_semaphore(%run_scoped3A : memref<!tpu.dma_semaphore, #tpu.memory_space<semaphore_mem>>)
        %dma_wait3A = arith.constant 0 : i32
        %dma_wait3A_55 = tpu.memref_slice %arg5[%arg0, %add3A_48, %dma_wait3A] : memref<2x5120x64xf32, #tpu.memory_space<hbm>> -> memref<1x64x64xf32, #tpu.memory_space<hbm>>
        %dma_wait3A_56 = tpu.memref_squeeze %dma_wait3A_55 : memref<1x64x64xf32, #tpu.memory_space<hbm>> -> memref<64x64xf32, #tpu.memory_space<hbm>>
        %dma_wait3A_57 = arith.constant 0 : i32
        %dma_wait3A_58 = tpu.memref_slice %arg11[%add3A, %dma_wait3A_57] : memref<5120x64xf32, #tpu.memory_space<vmem_shared>> -> memref<64x64xf32, #tpu.memory_space<vmem_shared>>
        tpu.wait_dma2 semaphore(%run_scoped3A : memref<!tpu.dma_semaphore, #tpu.memory_space<semaphore_mem>>) src(%dma_wait3A_58 : memref<64x64xf32, #tpu.memory_space<vmem_shared>>) dst(%dma_wait3A_56 : memref<64x64xf32, #tpu.memory_space<hbm>>)
        tpu.yield
      }) : () -> ()
      %scan3A_49 = arith.constant 0 : i32
      scf.yield %scan3A_49 : i32
    }
    %scan3A_41 = arith.constant 5 : i32
    return
  }
}

#map = affine_map<(d0, d1) -> (0, 0)>
#map1 = affine_map<(d0, d1) -> (0, 0, 0)>
module attributes {stable_mosaic.version = 14 : i64} {
  func.func @k(%arg0: i32, %arg1: i32, %arg2: memref<10000x64xf32, #tpu.memory_space<hbm>>, %arg3: memref<16x157x128xi32, #tpu.memory_space<hbm>>, %arg4: memref<16x157x128xi32, #tpu.memory_space<hbm>>, %arg5: memref<2x10240x64xf32, #tpu.memory_space<hbm>>, %arg6: memref<157x128xi32, #tpu.memory_space<vmem>>, %arg7: memref<157x128xi32, #tpu.memory_space<vmem>>, %arg8: memref<128x64xf32, #tpu.memory_space<vmem>>, %arg9: memref<128x64xf32, #tpu.memory_space<vmem>>, %arg10: memref<64x64xf32, #tpu.memory_space<vmem>>, %arg11: memref<10240x64xf32, #tpu.memory_space<vmem_shared>>, %arg12: memref<!tpu.dma_semaphore, #tpu.memory_space<semaphore_mem>>, %arg13: memref<!tpu.dma_semaphore, #tpu.memory_space<semaphore_mem>>) attributes {dimension_semantics = [#tpu.dimension_semantics<core_parallel>, #tpu.dimension_semantics<subcore_parallel>], iteration_bounds = array<i64: 2, 16>, scalar_prefetch = 0 : i64, scratch_operands = 8 : i64, tpu.core_type = #tpu.core_type<sc_vector_subcore>, window_params = [{transform_indices = #map}, {transform_indices = #map1}, {transform_indices = #map1}, {transform_indices = #map1}]} {
    %scan3A = arith.constant 0 : i32
    %scan3A_0 = arith.constant 0 : i32
    %scan3A_1 = arith.constant 64 : i32
    %scan3A_2 = arith.addi %scan3A_0, %scan3A_1 : i32
    %scan3A_3 = arith.constant 1 : i32
    %scan3A_4 = scf.for %scan3A_42 = %scan3A_0 to %scan3A_2 step %scan3A_3 iter_args(%scan3A_43 = %scan3A) -> (i32)  : i32 {
      %scan3A_44 = arith.constant 0 : i32
      %scan3A_45 = arith.constant 0 : i32
      %scan3A_46 = arith.constant 4 : i32
      %scan3A_47 = arith.addi %scan3A_45, %scan3A_46 : i32
      %scan3A_48 = arith.constant 1 : i32
      %scan3A_49 = scf.for %scan3A_51 = %scan3A_45 to %scan3A_47 step %scan3A_48 iter_args(%scan3A_52 = %scan3A_44) -> (i32)  : i32 {
        %broadcast_in_dim3A = arith.constant 0.000000e+00 : f32
        %broadcast_in_dim3A_53 = vector.broadcast %broadcast_in_dim3A : f32 to vector<16xf32>
        %mul3A_54 = arith.constant 16 : i32
        %mul3A_55 = arith.muli %scan3A_51, %mul3A_54 : i32
        %swap3A = arith.index_cast %scan3A_42 : i32 to index
        %swap3A_56 = arith.index_cast %mul3A_55 : i32 to index
        %swap3A_57 = tpu.vector_load %arg10[%swap3A, %swap3A_56] {strides = array<i32>} : memref<64x64xf32, #tpu.memory_space<vmem>>, vector<1x16xf32>,
        %swap3A_58 = vector.shape_cast %swap3A_57 : vector<1x16xf32> to vector<16xf32>
        %swap3A_59 = vector.shape_cast %broadcast_in_dim3A_53 : vector<16xf32> to vector<1x16xf32>
        tpu.vector_store %arg10[%swap3A, %swap3A_56], %swap3A_59 {strides = array<i32>} : memref<64x64xf32, #tpu.memory_space<vmem>>, vector<1x16xf32>,
        %scan3A_60 = arith.constant 0 : i32
        scf.yield %scan3A_60 : i32
      }
      %scan3A_50 = arith.constant 4 : i32
      scf.yield %scan3A_49 : i32
    }
    %scan3A_5 = arith.constant 64 : i32
    %mul3A = arith.constant 640 : i32
    %mul3A_6 = arith.muli %arg1, %mul3A : i32
    %scan3A_7 = arith.constant 0 : i32
    %scan3A_8 = arith.constant 0 : i32
    %scan3A_9 = arith.constant 10 : i32
    %scan3A_10 = arith.addi %scan3A_8, %scan3A_9 : i32
    %scan3A_11 = arith.constant 1 : i32
    %scan3A_12 = scf.for %scan3A_42 = %scan3A_8 to %scan3A_10 step %scan3A_11 iter_args(%scan3A_43 = %scan3A_7) -> (i32)  : i32 {
      %mul3A_44 = arith.constant 64 : i32
      %mul3A_45 = arith.muli %scan3A_42, %mul3A_44 : i32
      %add3A = arith.addi %mul3A_6, %mul3A_45 : i32
      "tpu.region"() ({
        %run_scoped3A = tpu.sem_alloc : memref<!tpu.dma_semaphore, #tpu.memory_space<semaphore_mem>>
        %dma_start3A_47 = arith.constant 0 : i32
        %dma_start3A_48 = tpu.memref_slice %arg11[%add3A, %dma_start3A_47] : memref<10240x64xf32, #tpu.memory_space<vmem_shared>> -> memref<64x64xf32, #tpu.memory_space<vmem_shared>>
        %dma_start3A_49 = arith.constant 0 : i32
        %dma_start3A_50 = tpu.memref_slice %arg11[%add3A, %dma_start3A_49] : memref<10240x64xf32, #tpu.memory_space<vmem_shared>> -> memref<64x64xf32, #tpu.memory_space<vmem_shared>>
        tpu.enqueue_dma source(%arg10 : memref<64x64xf32, #tpu.memory_space<vmem>>) target(%dma_start3A_50 : memref<64x64xf32, #tpu.memory_space<vmem_shared>>) target_semaphore(%run_scoped3A : memref<!tpu.dma_semaphore, #tpu.memory_space<semaphore_mem>>)
        %dma_wait3A = arith.constant 0 : i32
        %dma_wait3A_51 = tpu.memref_slice %arg11[%add3A, %dma_wait3A] : memref<10240x64xf32, #tpu.memory_space<vmem_shared>> -> memref<64x64xf32, #tpu.memory_space<vmem_shared>>
        %dma_wait3A_52 = arith.constant 0 : i32
        %dma_wait3A_53 = tpu.memref_slice %arg11[%add3A, %dma_wait3A_52] : memref<10240x64xf32, #tpu.memory_space<vmem_shared>> -> memref<64x64xf32, #tpu.memory_space<vmem_shared>>
        tpu.wait_dma2 semaphore(%run_scoped3A : memref<!tpu.dma_semaphore, #tpu.memory_space<semaphore_mem>>) src(%arg10 : memref<64x64xf32, #tpu.memory_space<vmem>>) dst(%dma_wait3A_53 : memref<64x64xf32, #tpu.memory_space<vmem_shared>>)
        tpu.yield
      }) : () -> ()
      %scan3A_46 = arith.constant 0 : i32
      scf.yield %scan3A_46 : i32
    }
    %scan3A_13 = arith.constant 10 : i32
    "tpu.region"() ({
      %run_scoped3A = tpu.sem_alloc : memref<!tpu.dma_semaphore, #tpu.memory_space<semaphore_mem>>
      %dma_start3A_42 = arith.constant 0 : i32
      %dma_start3A_43 = arith.constant 0 : i32
      %dma_start3A_44 = tpu.memref_slice %arg3[%arg1, %dma_start3A_42, %dma_start3A_43] : memref<16x157x128xi32, #tpu.memory_space<hbm>> -> memref<1x157x128xi32, #tpu.memory_space<hbm>>
      %dma_start3A_45 = tpu.memref_squeeze %dma_start3A_44 : memref<1x157x128xi32, #tpu.memory_space<hbm>> -> memref<157x128xi32, #tpu.memory_space<hbm>>
      %dma_start3A_46 = arith.constant 0 : i32
      %dma_start3A_47 = arith.constant 0 : i32
      %dma_start3A_48 = tpu.memref_slice %arg3[%arg1, %dma_start3A_46, %dma_start3A_47] : memref<16x157x128xi32, #tpu.memory_space<hbm>> -> memref<1x157x128xi32, #tpu.memory_space<hbm>>
      %dma_start3A_49 = tpu.memref_squeeze %dma_start3A_48 : memref<1x157x128xi32, #tpu.memory_space<hbm>> -> memref<157x128xi32, #tpu.memory_space<hbm>>
      tpu.enqueue_dma source(%dma_start3A_49 : memref<157x128xi32, #tpu.memory_space<hbm>>) target(%arg6 : memref<157x128xi32, #tpu.memory_space<vmem>>) target_semaphore(%run_scoped3A : memref<!tpu.dma_semaphore, #tpu.memory_space<semaphore_mem>>)
      %dma_wait3A = arith.constant 0 : i32
      %dma_wait3A_50 = arith.constant 0 : i32
      %dma_wait3A_51 = tpu.memref_slice %arg3[%arg1, %dma_wait3A, %dma_wait3A_50] : memref<16x157x128xi32, #tpu.memory_space<hbm>> -> memref<1x157x128xi32, #tpu.memory_space<hbm>>
      %dma_wait3A_52 = tpu.memref_squeeze %dma_wait3A_51 : memref<1x157x128xi32, #tpu.memory_space<hbm>> -> memref<157x128xi32, #tpu.memory_space<hbm>>
      %dma_wait3A_53 = arith.constant 0 : i32
      %dma_wait3A_54 = arith.constant 0 : i32
      %dma_wait3A_55 = tpu.memref_slice %arg3[%arg1, %dma_wait3A_53, %dma_wait3A_54] : memref<16x157x128xi32, #tpu.memory_space<hbm>> -> memref<1x157x128xi32, #tpu.memory_space<hbm>>
      %dma_wait3A_56 = tpu.memref_squeeze %dma_wait3A_55 : memref<1x157x128xi32, #tpu.memory_space<hbm>> -> memref<157x128xi32, #tpu.memory_space<hbm>>
      tpu.wait_dma2 semaphore(%run_scoped3A : memref<!tpu.dma_semaphore, #tpu.memory_space<semaphore_mem>>) src(%dma_wait3A_56 : memref<157x128xi32, #tpu.memory_space<hbm>>) dst(%arg6 : memref<157x128xi32, #tpu.memory_space<vmem>>)
      tpu.yield
    }) : () -> ()
    "tpu.region"() ({
      %run_scoped3A = tpu.sem_alloc : memref<!tpu.dma_semaphore, #tpu.memory_space<semaphore_mem>>
      %dma_start3A_42 = arith.constant 0 : i32
      %dma_start3A_43 = arith.constant 0 : i32
      %dma_start3A_44 = tpu.memref_slice %arg4[%arg1, %dma_start3A_42, %dma_start3A_43] : memref<16x157x128xi32, #tpu.memory_space<hbm>> -> memref<1x157x128xi32, #tpu.memory_space<hbm>>
      %dma_start3A_45 = tpu.memref_squeeze %dma_start3A_44 : memref<1x157x128xi32, #tpu.memory_space<hbm>> -> memref<157x128xi32, #tpu.memory_space<hbm>>
      %dma_start3A_46 = arith.constant 0 : i32
      %dma_start3A_47 = arith.constant 0 : i32
      %dma_start3A_48 = tpu.memref_slice %arg4[%arg1, %dma_start3A_46, %dma_start3A_47] : memref<16x157x128xi32, #tpu.memory_space<hbm>> -> memref<1x157x128xi32, #tpu.memory_space<hbm>>
      %dma_start3A_49 = tpu.memref_squeeze %dma_start3A_48 : memref<1x157x128xi32, #tpu.memory_space<hbm>> -> memref<157x128xi32, #tpu.memory_space<hbm>>
      tpu.enqueue_dma source(%dma_start3A_49 : memref<157x128xi32, #tpu.memory_space<hbm>>) target(%arg7 : memref<157x128xi32, #tpu.memory_space<vmem>>) target_semaphore(%run_scoped3A : memref<!tpu.dma_semaphore, #tpu.memory_space<semaphore_mem>>)
      %dma_wait3A = arith.constant 0 : i32
      %dma_wait3A_50 = arith.constant 0 : i32
      %dma_wait3A_51 = tpu.memref_slice %arg4[%arg1, %dma_wait3A, %dma_wait3A_50] : memref<16x157x128xi32, #tpu.memory_space<hbm>> -> memref<1x157x128xi32, #tpu.memory_space<hbm>>
      %dma_wait3A_52 = tpu.memref_squeeze %dma_wait3A_51 : memref<1x157x128xi32, #tpu.memory_space<hbm>> -> memref<157x128xi32, #tpu.memory_space<hbm>>
      %dma_wait3A_53 = arith.constant 0 : i32
      %dma_wait3A_54 = arith.constant 0 : i32
      %dma_wait3A_55 = tpu.memref_slice %arg4[%arg1, %dma_wait3A_53, %dma_wait3A_54] : memref<16x157x128xi32, #tpu.memory_space<hbm>> -> memref<1x157x128xi32, #tpu.memory_space<hbm>>
      %dma_wait3A_56 = tpu.memref_squeeze %dma_wait3A_55 : memref<1x157x128xi32, #tpu.memory_space<hbm>> -> memref<157x128xi32, #tpu.memory_space<hbm>>
      tpu.wait_dma2 semaphore(%run_scoped3A : memref<!tpu.dma_semaphore, #tpu.memory_space<semaphore_mem>>) src(%dma_wait3A_56 : memref<157x128xi32, #tpu.memory_space<hbm>>) dst(%arg7 : memref<157x128xi32, #tpu.memory_space<vmem>>)
      tpu.yield
    }) : () -> ()
    %scan3A_14 = arith.constant 0 : i32
    %scan3A_15 = arith.constant 0 : i32
    %scan3A_16 = arith.constant 157 : i32
    %scan3A_17 = arith.addi %scan3A_15, %scan3A_16 : i32
    %scan3A_18 = arith.constant 1 : i32
    %scan3A_19 = scf.for %scan3A_42 = %scan3A_15 to %scan3A_17 step %scan3A_18 iter_args(%scan3A_43 = %scan3A_14) -> (i32)  : i32 {
      %scan3A_44 = arith.constant 0 : i32
      %scan3A_45 = arith.constant 0 : i32
      %scan3A_46 = arith.constant 8 : i32
      %scan3A_47 = arith.addi %scan3A_45, %scan3A_46 : i32
      %scan3A_48 = arith.constant 1 : i32
      %scan3A_49 = scf.for %scan3A_51 = %scan3A_45 to %scan3A_47 step %scan3A_48 iter_args(%scan3A_52 = %scan3A_44) -> (i32)  : i32 {
        %mul3A_53 = arith.constant 16 : i32
        %mul3A_54 = arith.muli %scan3A_51, %mul3A_53 : i32
        %get3A = arith.index_cast %scan3A_42 : i32 to index
        %get3A_55 = arith.index_cast %mul3A_54 : i32 to index
        %get3A_56 = tpu.vector_load %arg6[%get3A, %get3A_55] {strides = array<i32>} : memref<157x128xi32, #tpu.memory_space<vmem>>, vector<1x16xi32>,
        %get3A_57 = vector.shape_cast %get3A_56 : vector<1x16xi32> to vector<16xi32>
        %add3A = vector.broadcast %arg0 : i32 to vector<16xi32>
        %add3A_58 = arith.addi %get3A_57, %add3A : vector<16xi32>
        %swap3A = arith.index_cast %scan3A_42 : i32 to index
        %swap3A_59 = arith.index_cast %mul3A_54 : i32 to index
        %swap3A_60 = tpu.vector_load %arg6[%swap3A, %swap3A_59] {strides = array<i32>} : memref<157x128xi32, #tpu.memory_space<vmem>>, vector<1x16xi32>,
        %swap3A_61 = vector.shape_cast %swap3A_60 : vector<1x16xi32> to vector<16xi32>
        %swap3A_62 = vector.shape_cast %add3A_58 : vector<16xi32> to vector<1x16xi32>
        tpu.vector_store %arg6[%swap3A, %swap3A_59], %swap3A_62 {strides = array<i32>} : memref<157x128xi32, #tpu.memory_space<vmem>>, vector<1x16xi32>,
        %scan3A_63 = arith.constant 0 : i32
        scf.yield %scan3A_63 : i32
      }
      %scan3A_50 = arith.constant 8 : i32
      scf.yield %scan3A_49 : i32
    }
    %scan3A_20 = arith.constant 157 : i32
    %barrier3A = arith.constant 0 : index
    tpu.barrier barrier_id(%barrier3A)
    %dma_start3A = arith.constant 0 : i32
    %dma_start3A_21 = arith.constant 0 : i32
    %dma_start3A_22 = tpu.memref_slice %arg6[%dma_start3A, %dma_start3A_21] : memref<157x128xi32, #tpu.memory_space<vmem>> -> memref<1x128xi32, #tpu.memory_space<vmem>>
    %dma_start3A_23 = tpu.memref_squeeze %dma_start3A_22 : memref<1x128xi32, #tpu.memory_space<vmem>> -> memref<128xi32, #tpu.memory_space<vmem>>
    %dma_start3A_24 = arith.constant 0 : i32
    %dma_start3A_25 = arith.constant 0 : i32
    %dma_start3A_26 = tpu.memref_slice %arg2[%dma_start3A_24, %dma_start3A_25] : memref<10000x64xf32, #tpu.memory_space<hbm>> -> memref<10000x64xf32, #tpu.memory_space<hbm>>
    tpu.enqueue_indirect_dma source(%dma_start3A_26 : memref<10000x64xf32, #tpu.memory_space<hbm>>) target(%arg8 : memref<128x64xf32, #tpu.memory_space<vmem>>) offsets(%dma_start3A_23 : memref<128xi32, #tpu.memory_space<vmem>>) semaphore(%arg12 : memref<!tpu.dma_semaphore, #tpu.memory_space<semaphore_mem>>)
    %scan3A_27 = arith.constant 0 : i32
    %scan3A_28 = arith.constant 0 : i32
    %scan3A_29 = arith.constant 157 : i32
    %scan3A_30 = arith.addi %scan3A_28, %scan3A_29 : i32
    %scan3A_31 = arith.constant 1 : i32
    %scan3A_32 = scf.for %scan3A_42 = %scan3A_28 to %scan3A_30 step %scan3A_31 iter_args(%scan3A_43 = %scan3A_27) -> (i32)  : i32 {
      %rem3A = arith.constant 2 : i32
      %rem3A_44 = arith.remsi %scan3A_42, %rem3A : i32
      %eq3A = arith.constant 0 : i32
      %eq3A_45 = arith.cmpi eq, %rem3A_44, %eq3A : i32
      %add3A = arith.constant 1 : i32
      %add3A_46 = arith.addi %scan3A_42, %add3A : i32
      %lt3A = arith.constant 157 : i32
      %lt3A_47 = arith.cmpi slt, %add3A_46, %lt3A : i32
      %and3A = arith.andi %lt3A_47, %eq3A_45 : i1
      %convert_element_type3A = arith.extui %and3A : i1 to i32
      %cond3A = arith.constant 0 : i32
      %cond3A_48 = arith.cmpi ne, %convert_element_type3A, %cond3A : i32
      scf.if %cond3A_48 {
        %add3A_67 = arith.constant 1 : i32
        %add3A_68 = arith.addi %scan3A_42, %add3A_67 : i32
        %dma_start3A_69 = arith.constant 0 : i32
        %dma_start3A_70 = tpu.memref_slice %arg6[%add3A_68, %dma_start3A_69] : memref<157x128xi32, #tpu.memory_space<vmem>> -> memref<1x128xi32, #tpu.memory_space<vmem>>
        %dma_start3A_71 = tpu.memref_squeeze %dma_start3A_70 : memref<1x128xi32, #tpu.memory_space<vmem>> -> memref<128xi32, #tpu.memory_space<vmem>>
        %dma_start3A_72 = arith.constant 0 : i32
        %dma_start3A_73 = arith.constant 0 : i32
        %dma_start3A_74 = tpu.memref_slice %arg2[%dma_start3A_72, %dma_start3A_73] : memref<10000x64xf32, #tpu.memory_space<hbm>> -> memref<10000x64xf32, #tpu.memory_space<hbm>>
        tpu.enqueue_indirect_dma source(%dma_start3A_74 : memref<10000x64xf32, #tpu.memory_space<hbm>>) target(%arg9 : memref<128x64xf32, #tpu.memory_space<vmem>>) offsets(%dma_start3A_71 : memref<128xi32, #tpu.memory_space<vmem>>) semaphore(%arg13 : memref<!tpu.dma_semaphore, #tpu.memory_space<semaphore_mem>>)
      } else {
      }
      %add3A_49 = arith.constant 1 : i32
      %add3A_50 = arith.addi %scan3A_42, %add3A_49 : i32
      %lt3A_51 = arith.constant 157 : i32
      %lt3A_52 = arith.cmpi slt, %add3A_50, %lt3A_51 : i32
      %not3A = arith.constant true
      %not3A_53 = arith.xori %eq3A_45, %not3A : i1
      %and3A_54 = arith.andi %lt3A_52, %not3A_53 : i1
      %convert_element_type3A_55 = arith.extui %and3A_54 : i1 to i32
      %cond3A_56 = arith.constant 0 : i32
      %cond3A_57 = arith.cmpi ne, %convert_element_type3A_55, %cond3A_56 : i32
      scf.if %cond3A_57 {
        %add3A_67 = arith.constant 1 : i32
        %add3A_68 = arith.addi %scan3A_42, %add3A_67 : i32
        %dma_start3A_69 = arith.constant 0 : i32
        %dma_start3A_70 = tpu.memref_slice %arg6[%add3A_68, %dma_start3A_69] : memref<157x128xi32, #tpu.memory_space<vmem>> -> memref<1x128xi32, #tpu.memory_space<vmem>>
        %dma_start3A_71 = tpu.memref_squeeze %dma_start3A_70 : memref<1x128xi32, #tpu.memory_space<vmem>> -> memref<128xi32, #tpu.memory_space<vmem>>
        %dma_start3A_72 = arith.constant 0 : i32
        %dma_start3A_73 = arith.constant 0 : i32
        %dma_start3A_74 = tpu.memref_slice %arg2[%dma_start3A_72, %dma_start3A_73] : memref<10000x64xf32, #tpu.memory_space<hbm>> -> memref<10000x64xf32, #tpu.memory_space<hbm>>
        tpu.enqueue_indirect_dma source(%dma_start3A_74 : memref<10000x64xf32, #tpu.memory_space<hbm>>) target(%arg8 : memref<128x64xf32, #tpu.memory_space<vmem>>) offsets(%dma_start3A_71 : memref<128xi32, #tpu.memory_space<vmem>>) semaphore(%arg12 : memref<!tpu.dma_semaphore, #tpu.memory_space<semaphore_mem>>)
      } else {
      }
      %convert_element_type3A_58 = arith.extui %eq3A_45 : i1 to i32
      %cond3A_59 = arith.constant 0 : i32
      %cond3A_60 = arith.cmpi ne, %convert_element_type3A_58, %cond3A_59 : i32
      scf.if %cond3A_60 {
        %dma_wait3A = arith.constant 0 : i32
        %dma_wait3A_67 = tpu.memref_slice %arg6[%scan3A_42, %dma_wait3A] : memref<157x128xi32, #tpu.memory_space<vmem>> -> memref<1x128xi32, #tpu.memory_space<vmem>>
        %dma_wait3A_68 = tpu.memref_squeeze %dma_wait3A_67 : memref<1x128xi32, #tpu.memory_space<vmem>> -> memref<128xi32, #tpu.memory_space<vmem>>
        %dma_wait3A_69 = arith.constant 0 : i32
        %dma_wait3A_70 = arith.constant 0 : i32
        %dma_wait3A_71 = tpu.memref_slice %arg2[%dma_wait3A_69, %dma_wait3A_70] : memref<10000x64xf32, #tpu.memory_space<hbm>> -> memref<10000x64xf32, #tpu.memory_space<hbm>>
        tpu.wait_indirect_dma semaphore(%arg12 : memref<!tpu.dma_semaphore, #tpu.memory_space<semaphore_mem>>) src(%dma_wait3A_71 : memref<10000x64xf32, #tpu.memory_space<hbm>>) dst(%arg8 : memref<128x64xf32, #tpu.memory_space<vmem>>)
        "tpu.region"() ({
          %run_scoped3A = tpu.sem_alloc : memref<!tpu.dma_semaphore, #tpu.memory_space<semaphore_mem>>
          %dma_start3A_72 = arith.constant 0 : i32
          %dma_start3A_73 = tpu.memref_slice %arg7[%scan3A_42, %dma_start3A_72] : memref<157x128xi32, #tpu.memory_space<vmem>> -> memref<1x128xi32, #tpu.memory_space<vmem>>
          %dma_start3A_74 = tpu.memref_squeeze %dma_start3A_73 : memref<1x128xi32, #tpu.memory_space<vmem>> -> memref<128xi32, #tpu.memory_space<vmem>>
          %dma_start3A_75 = arith.constant 0 : i32
          %dma_start3A_76 = arith.constant 0 : i32
          %dma_start3A_77 = tpu.memref_slice %arg11[%dma_start3A_75, %dma_start3A_76] : memref<10240x64xf32, #tpu.memory_space<vmem_shared>> -> memref<10240x64xf32, #tpu.memory_space<vmem_shared>>
          tpu.enqueue_indirect_dma source(%arg8 : memref<128x64xf32, #tpu.memory_space<vmem>>) target(%dma_start3A_77 : memref<10240x64xf32, #tpu.memory_space<vmem_shared>>) offsets(%dma_start3A_74 : memref<128xi32, #tpu.memory_space<vmem>>) semaphore(%run_scoped3A : memref<!tpu.dma_semaphore, #tpu.memory_space<semaphore_mem>>) {add = true}
          %dma_wait3A_78 = arith.constant 0 : i32
          %dma_wait3A_79 = tpu.memref_slice %arg7[%scan3A_42, %dma_wait3A_78] : memref<157x128xi32, #tpu.memory_space<vmem>> -> memref<1x128xi32, #tpu.memory_space<vmem>>
          %dma_wait3A_80 = tpu.memref_squeeze %dma_wait3A_79 : memref<1x128xi32, #tpu.memory_space<vmem>> -> memref<128xi32, #tpu.memory_space<vmem>>
          %dma_wait3A_81 = arith.constant 0 : i32
          %dma_wait3A_82 = arith.constant 0 : i32
          %dma_wait3A_83 = tpu.memref_slice %arg11[%dma_wait3A_81, %dma_wait3A_82] : memref<10240x64xf32, #tpu.memory_space<vmem_shared>> -> memref<10240x64xf32, #tpu.memory_space<vmem_shared>>
          tpu.wait_indirect_dma semaphore(%run_scoped3A : memref<!tpu.dma_semaphore, #tpu.memory_space<semaphore_mem>>) src(%arg8 : memref<128x64xf32, #tpu.memory_space<vmem>>) dst(%dma_wait3A_83 : memref<10240x64xf32, #tpu.memory_space<vmem_shared>>)
          tpu.yield
        }) : () -> ()
      } else {
      }
      %not3A_61 = arith.constant true
      %not3A_62 = arith.xori %eq3A_45, %not3A_61 : i1
      %convert_element_type3A_63 = arith.extui %not3A_62 : i1 to i32
      %cond3A_64 = arith.constant 0 : i32
      %cond3A_65 = arith.cmpi ne, %convert_element_type3A_63, %cond3A_64 : i32
      scf.if %cond3A_65 {
        %dma_wait3A = arith.constant 0 : i32
        %dma_wait3A_67 = tpu.memref_slice %arg6[%scan3A_42, %dma_wait3A] : memref<157x128xi32, #tpu.memory_space<vmem>> -> memref<1x128xi32, #tpu.memory_space<vmem>>
        %dma_wait3A_68 = tpu.memref_squeeze %dma_wait3A_67 : memref<1x128xi32, #tpu.memory_space<vmem>> -> memref<128xi32, #tpu.memory_space<vmem>>
        %dma_wait3A_69 = arith.constant 0 : i32
        %dma_wait3A_70 = arith.constant 0 : i32
        %dma_wait3A_71 = tpu.memref_slice %arg2[%dma_wait3A_69, %dma_wait3A_70] : memref<10000x64xf32, #tpu.memory_space<hbm>> -> memref<10000x64xf32, #tpu.memory_space<hbm>>
        tpu.wait_indirect_dma semaphore(%arg13 : memref<!tpu.dma_semaphore, #tpu.memory_space<semaphore_mem>>) src(%dma_wait3A_71 : memref<10000x64xf32, #tpu.memory_space<hbm>>) dst(%arg9 : memref<128x64xf32, #tpu.memory_space<vmem>>)
        "tpu.region"() ({
          %run_scoped3A = tpu.sem_alloc : memref<!tpu.dma_semaphore, #tpu.memory_space<semaphore_mem>>
          %dma_start3A_72 = arith.constant 0 : i32
          %dma_start3A_73 = tpu.memref_slice %arg7[%scan3A_42, %dma_start3A_72] : memref<157x128xi32, #tpu.memory_space<vmem>> -> memref<1x128xi32, #tpu.memory_space<vmem>>
          %dma_start3A_74 = tpu.memref_squeeze %dma_start3A_73 : memref<1x128xi32, #tpu.memory_space<vmem>> -> memref<128xi32, #tpu.memory_space<vmem>>
          %dma_start3A_75 = arith.constant 0 : i32
          %dma_start3A_76 = arith.constant 0 : i32
          %dma_start3A_77 = tpu.memref_slice %arg11[%dma_start3A_75, %dma_start3A_76] : memref<10240x64xf32, #tpu.memory_space<vmem_shared>> -> memref<10240x64xf32, #tpu.memory_space<vmem_shared>>
          tpu.enqueue_indirect_dma source(%arg9 : memref<128x64xf32, #tpu.memory_space<vmem>>) target(%dma_start3A_77 : memref<10240x64xf32, #tpu.memory_space<vmem_shared>>) offsets(%dma_start3A_74 : memref<128xi32, #tpu.memory_space<vmem>>) semaphore(%run_scoped3A : memref<!tpu.dma_semaphore, #tpu.memory_space<semaphore_mem>>) {add = true}
          %dma_wait3A_78 = arith.constant 0 : i32
          %dma_wait3A_79 = tpu.memref_slice %arg7[%scan3A_42, %dma_wait3A_78] : memref<157x128xi32, #tpu.memory_space<vmem>> -> memref<1x128xi32, #tpu.memory_space<vmem>>
          %dma_wait3A_80 = tpu.memref_squeeze %dma_wait3A_79 : memref<1x128xi32, #tpu.memory_space<vmem>> -> memref<128xi32, #tpu.memory_space<vmem>>
          %dma_wait3A_81 = arith.constant 0 : i32
          %dma_wait3A_82 = arith.constant 0 : i32
          %dma_wait3A_83 = tpu.memref_slice %arg11[%dma_wait3A_81, %dma_wait3A_82] : memref<10240x64xf32, #tpu.memory_space<vmem_shared>> -> memref<10240x64xf32, #tpu.memory_space<vmem_shared>>
          tpu.wait_indirect_dma semaphore(%run_scoped3A : memref<!tpu.dma_semaphore, #tpu.memory_space<semaphore_mem>>) src(%arg9 : memref<128x64xf32, #tpu.memory_space<vmem>>) dst(%dma_wait3A_83 : memref<10240x64xf32, #tpu.memory_space<vmem_shared>>)
          tpu.yield
        }) : () -> ()
      } else {
      }
      %scan3A_66 = arith.constant 0 : i32
      scf.yield %scan3A_66 : i32
    }
    %scan3A_33 = arith.constant 157 : i32
    %barrier3A_34 = arith.constant 0 : index
    tpu.barrier barrier_id(%barrier3A_34)
    %scan3A_35 = arith.constant 0 : i32
    %scan3A_36 = arith.constant 0 : i32
    %scan3A_37 = arith.constant 10 : i32
    %scan3A_38 = arith.addi %scan3A_36, %scan3A_37 : i32
    %scan3A_39 = arith.constant 1 : i32
    %scan3A_40 = scf.for %scan3A_42 = %scan3A_36 to %scan3A_38 step %scan3A_39 iter_args(%scan3A_43 = %scan3A_35) -> (i32)  : i32 {
      %mul3A_44 = arith.constant 64 : i32
      %mul3A_45 = arith.muli %scan3A_42, %mul3A_44 : i32
      %add3A = arith.addi %mul3A_6, %mul3A_45 : i32
      %mul3A_46 = arith.constant 64 : i32
      %mul3A_47 = arith.muli %scan3A_42, %mul3A_46 : i32
      %add3A_48 = arith.addi %mul3A_6, %mul3A_47 : i32
      "tpu.region"() ({
        %run_scoped3A = tpu.sem_alloc : memref<!tpu.dma_semaphore, #tpu.memory_space<semaphore_mem>>
        %dma_start3A_50 = arith.constant 0 : i32
        %dma_start3A_51 = tpu.memref_slice %arg5[%arg0, %add3A_48, %dma_start3A_50] : memref<2x10240x64xf32, #tpu.memory_space<hbm>> -> memref<1x64x64xf32, #tpu.memory_space<hbm>>
        %dma_start3A_52 = tpu.memref_squeeze %dma_start3A_51 : memref<1x64x64xf32, #tpu.memory_space<hbm>> -> memref<64x64xf32, #tpu.memory_space<hbm>>
        %dma_start3A_53 = arith.constant 0 : i32
        %dma_start3A_54 = tpu.memref_slice %arg11[%add3A, %dma_start3A_53] : memref<10240x64xf32, #tpu.memory_space<vmem_shared>> -> memref<64x64xf32, #tpu.memory_space<vmem_shared>>
        tpu.enqueue_dma source(%dma_start3A_54 : memref<64x64xf32, #tpu.memory_space<vmem_shared>>) target(%dma_start3A_52 : memref<64x64xf32, #tpu.memory_space<hbm>>) target_semaphore(%run_scoped3A : memref<!tpu.dma_semaphore, #tpu.memory_space<semaphore_mem>>)
        %dma_wait3A = arith.constant 0 : i32
        %dma_wait3A_55 = tpu.memref_slice %arg5[%arg0, %add3A_48, %dma_wait3A] : memref<2x10240x64xf32, #tpu.memory_space<hbm>> -> memref<1x64x64xf32, #tpu.memory_space<hbm>>
        %dma_wait3A_56 = tpu.memref_squeeze %dma_wait3A_55 : memref<1x64x64xf32, #tpu.memory_space<hbm>> -> memref<64x64xf32, #tpu.memory_space<hbm>>
        %dma_wait3A_57 = arith.constant 0 : i32
        %dma_wait3A_58 = tpu.memref_slice %arg11[%add3A, %dma_wait3A_57] : memref<10240x64xf32, #tpu.memory_space<vmem_shared>> -> memref<64x64xf32, #tpu.memory_space<vmem_shared>>
        tpu.wait_dma2 semaphore(%run_scoped3A : memref<!tpu.dma_semaphore, #tpu.memory_space<semaphore_mem>>) src(%dma_wait3A_58 : memref<64x64xf32, #tpu.memory_space<vmem_shared>>) dst(%dma_wait3A_56 : memref<64x64xf32, #tpu.memory_space<hbm>>)
        tpu.yield
      }) : () -> ()
      %scan3A_49 = arith.constant 0 : i32
      scf.yield %scan3A_49 : i32
    }
    %scan3A_41 = arith.constant 10 : i32
    return
  }
}

module attributes {stable_mosaic.version = 14 : i64} {
  func.func @body(%arg0: i32, %arg1: memref<1000x128xf32, #tpu.memory_space<vmem>>, %arg2: memref<1000x1xf32, #tpu.memory_space<vmem>>, %arg3: memref<1000x128xf32, #tpu.memory_space<vmem>>) attributes {dimension_semantics = [#tpu.dimension_semantics<arbitrary>], iteration_bounds = array<i64: 10>, scalar_prefetch = 0 : i64, scratch_operands = 0 : i64, tpu.core_type = #tpu.core_type<tc>, window_params = [{transform_indices = @transform_0, window_bounds = array<i64: 1000, 128>}, {transform_indices = @transform_1, window_bounds = array<i64: 1000, 1>}, {transform_indices = @transform_2, window_bounds = array<i64: 1000, 128>}]} {
    %get3A = arith.constant 0 : index
    %get3A_0 = arith.constant 0 : index
    %get3A_1 = vector.load %arg1[%get3A, %get3A_0] : memref<1000x128xf32, #tpu.memory_space<vmem>>, vector<1000x128xf32>
    %get3A_2 = arith.constant 0 : index
    %get3A_3 = arith.constant 0 : index
    %get3A_4 = vector.load %arg2[%get3A_2, %get3A_3] : memref<1000x1xf32, #tpu.memory_space<vmem>>, vector<1000x1xf32>
    %mul3A = vector.broadcast %get3A_4 : vector<1000x1xf32> to vector<1000x128xf32>
    %mul3A_5 = arith.mulf %get3A_1, %mul3A : vector<1000x128xf32>
    %swap3A = arith.constant 0 : index
    %swap3A_6 = arith.constant 0 : index
    %swap3A_7 = vector.load %arg3[%swap3A, %swap3A_6] : memref<1000x128xf32, #tpu.memory_space<vmem>>, vector<1000x128xf32>
    tpu.vector_store %arg3[%swap3A, %swap3A_6], %mul3A_5 {strides = array<i32>} : memref<1000x128xf32, #tpu.memory_space<vmem>>, vector<1000x128xf32>,
    return
  }
  func.func @transform_0(%arg0: i32) -> (i32, i32) {
    %c0_i32 = arith.constant 0 : i32
    %c0_i32_0 = arith.constant 0 : i32
    return %arg0, %c0_i32 : i32, i32
  }
  func.func @transform_1(%arg0: i32) -> (i32, i32) {
    %c0_i32 = arith.constant 0 : i32
    %c0_i32_0 = arith.constant 0 : i32
    return %arg0, %c0_i32 : i32, i32
  }
  func.func @transform_2(%arg0: i32) -> (i32, i32) {
    %c0_i32 = arith.constant 0 : i32
    %c0_i32_0 = arith.constant 0 : i32
    return %arg0, %c0_i32 : i32, i32
  }
}

module attributes {stable_mosaic.version = 14 : i64} {
  func.func @body(%arg0: i32, %arg1: memref<1000x64xf32, #tpu.memory_space<vmem>>, %arg2: memref<1000x64xf32, #tpu.memory_space<vmem>>, %arg3: memref<1000x1xf32, #tpu.memory_space<vmem>>, %arg4: memref<1000x1xf32, #tpu.memory_space<vmem>>, %arg5: memref<128x128xf32, #tpu.memory_space<vmem>>, %arg6: memref<1x128xf32, #tpu.memory_space<vmem>>, %arg7: memref<1000x128xf32, #tpu.memory_space<vmem>>, %arg8: memref<1000x128xf32, #tpu.memory_space<vmem>>) attributes {dimension_semantics = [#tpu.dimension_semantics<arbitrary>], iteration_bounds = array<i64: 5>, scalar_prefetch = 0 : i64, scratch_operands = 0 : i64, tpu.core_type = #tpu.core_type<tc>, window_params = [{transform_indices = @transform_0, window_bounds = array<i64: 1000, 64>}, {transform_indices = @transform_1, window_bounds = array<i64: 1000, 64>}, {transform_indices = @transform_2, window_bounds = array<i64: 1000, 1>}, {transform_indices = @transform_3, window_bounds = array<i64: 1000, 1>}, {pipeline_mode = #tpu.pipeline_mode<synchronous>, transform_indices = @transform_4, window_bounds = array<i64: 128, 128>}, {pipeline_mode = #tpu.pipeline_mode<synchronous>, transform_indices = @transform_5, window_bounds = array<i64: 1, 128>}, {transform_indices = @transform_6, window_bounds = array<i64: 1000, 128>}, {transform_indices = @transform_7, window_bounds = array<i64: 1000, 128>}]} {
    %get3A = arith.constant 0 : index
    %get3A_0 = arith.constant 0 : index
    %get3A_1 = vector.load %arg1[%get3A, %get3A_0] : memref<1000x64xf32, #tpu.memory_space<vmem>>, vector<1000x64xf32>
    %get3A_2 = arith.constant 0 : index
    %get3A_3 = arith.constant 0 : index
    %get3A_4 = vector.load %arg2[%get3A_2, %get3A_3] : memref<1000x64xf32, #tpu.memory_space<vmem>>, vector<1000x64xf32>
    %concatenate3A = tpu.concatenate %get3A_1, %get3A_4 in 1 : vector<1000x64xf32>, vector<1000x64xf32> -> vector<1000x128xf32>
    %get3A_5 = arith.constant 0 : index
    %get3A_6 = arith.constant 0 : index
    %get3A_7 = vector.load %arg3[%get3A_5, %get3A_6] : memref<1000x1xf32, #tpu.memory_space<vmem>>, vector<1000x1xf32>
    %div3A = vector.broadcast %get3A_7 : vector<1000x1xf32> to vector<1000x128xf32>
    %div3A_8 = arith.divf %concatenate3A, %div3A : vector<1000x128xf32>
    %get3A_9 = arith.constant 0 : index
    %get3A_10 = arith.constant 0 : index
    %get3A_11 = vector.load %arg5[%get3A_9, %get3A_10] : memref<128x128xf32, #tpu.memory_space<vmem>>, vector<128x128xf32>
    %dot_general3A = arith.constant dense<0.000000e+00> : vector<1000x128xf32>
    %dot_general3A_12 = tpu.matmul %div3A_8, %get3A_11, %dot_general3A {dimension_numbers = #tpu.dot_dimension_numbers<[1], [0], [0], [1], [0, 0, 1, 1], [], []>, transpose_lhs_hint = false} : vector<1000x128xf32>, vector<128x128xf32>, vector<1000x128xf32> -> vector<1000x128xf32>
    %get3A_13 = arith.constant 0 : index
    %get3A_14 = arith.constant 0 : index
    %get3A_15 = vector.load %arg6[%get3A_13, %get3A_14] : memref<1x128xf32, #tpu.memory_space<vmem>>, vector<1x128xf32>
    %add3A = vector.broadcast %get3A_15 : vector<1x128xf32> to vector<1000x128xf32>
    %add3A_16 = arith.addf %dot_general3A_12, %add3A : vector<1000x128xf32>
    %max3A = arith.constant 0.000000e+00 : f32
    %max3A_17 = vector.broadcast %max3A : f32 to vector<1000x128xf32>
    %max3A_18 = arith.maximumf %add3A_16, %max3A_17 : vector<1000x128xf32>
    %swap3A = arith.constant 0 : index
    %swap3A_19 = arith.constant 0 : index
    %swap3A_20 = vector.load %arg7[%swap3A, %swap3A_19] : memref<1000x128xf32, #tpu.memory_space<vmem>>, vector<1000x128xf32>
    tpu.vector_store %arg7[%swap3A, %swap3A_19], %max3A_18 {strides = array<i32>} : memref<1000x128xf32, #tpu.memory_space<vmem>>, vector<1000x128xf32>,
    %get3A_21 = arith.constant 0 : index
    %get3A_22 = arith.constant 0 : index
    %get3A_23 = vector.load %arg4[%get3A_21, %get3A_22] : memref<1000x1xf32, #tpu.memory_space<vmem>>, vector<1000x1xf32>
    %mul3A = vector.broadcast %get3A_23 : vector<1000x1xf32> to vector<1000x128xf32>
    %mul3A_24 = arith.mulf %max3A_18, %mul3A : vector<1000x128xf32>
    %swap3A_25 = arith.constant 0 : index
    %swap3A_26 = arith.constant 0 : index
    %swap3A_27 = vector.load %arg8[%swap3A_25, %swap3A_26] : memref<1000x128xf32, #tpu.memory_space<vmem>>, vector<1000x128xf32>
    tpu.vector_store %arg8[%swap3A_25, %swap3A_26], %mul3A_24 {strides = array<i32>} : memref<1000x128xf32, #tpu.memory_space<vmem>>, vector<1000x128xf32>,
    return
  }
  func.func @transform_0(%arg0: i32) -> (i32, i32) {
    %c0_i32 = arith.constant 0 : i32
    %c0_i32_0 = arith.constant 0 : i32
    return %arg0, %c0_i32 : i32, i32
  }
  func.func @transform_1(%arg0: i32) -> (i32, i32) {
    %c0_i32 = arith.constant 0 : i32
    %c0_i32_0 = arith.constant 0 : i32
    return %arg0, %c0_i32 : i32, i32
  }
  func.func @transform_2(%arg0: i32) -> (i32, i32) {
    %c0_i32 = arith.constant 0 : i32
    %c0_i32_0 = arith.constant 0 : i32
    return %arg0, %c0_i32 : i32, i32
  }
  func.func @transform_3(%arg0: i32) -> (i32, i32) {
    %c0_i32 = arith.constant 0 : i32
    %c0_i32_0 = arith.constant 0 : i32
    return %arg0, %c0_i32 : i32, i32
  }
  func.func @transform_4(%arg0: i32) -> (i32, i32) {
    %c0_i32 = arith.constant 0 : i32
    %c0_i32_0 = arith.constant 0 : i32
    %c0_i32_1 = arith.constant 0 : i32
    return %c0_i32, %c0_i32_0 : i32, i32
  }
  func.func @transform_5(%arg0: i32) -> (i32, i32) {
    %c0_i32 = arith.constant 0 : i32
    %c0_i32_0 = arith.constant 0 : i32
    %c0_i32_1 = arith.constant 0 : i32
    return %c0_i32, %c0_i32_0 : i32, i32
  }
  func.func @transform_6(%arg0: i32) -> (i32, i32) {
    %c0_i32 = arith.constant 0 : i32
    %c0_i32_0 = arith.constant 0 : i32
    return %arg0, %c0_i32 : i32, i32
  }
  func.func @transform_7(%arg0: i32) -> (i32, i32) {
    %c0_i32 = arith.constant 0 : i32
    %c0_i32_0 = arith.constant 0 : i32
    return %arg0, %c0_i32 : i32, i32
  }
}

module attributes {stable_mosaic.version = 14 : i64} {
  func.func @body_single(%arg0: i32, %arg1: memref<1000x64xf32, #tpu.memory_space<vmem>>, %arg2: memref<1000x64xf32, #tpu.memory_space<vmem>>, %arg3: memref<1000x1xf32, #tpu.memory_space<vmem>>, %arg4: memref<128x128xf32, #tpu.memory_space<vmem>>, %arg5: memref<1x128xf32, #tpu.memory_space<vmem>>, %arg6: memref<1000x128xf32, #tpu.memory_space<vmem>>) attributes {dimension_semantics = [#tpu.dimension_semantics<arbitrary>], iteration_bounds = array<i64: 10>, scalar_prefetch = 0 : i64, scratch_operands = 0 : i64, tpu.core_type = #tpu.core_type<tc>, window_params = [{transform_indices = @transform_0, window_bounds = array<i64: 1000, 64>}, {transform_indices = @transform_1, window_bounds = array<i64: 1000, 64>}, {transform_indices = @transform_2, window_bounds = array<i64: 1000, 1>}, {pipeline_mode = #tpu.pipeline_mode<synchronous>, transform_indices = @transform_3, window_bounds = array<i64: 128, 128>}, {pipeline_mode = #tpu.pipeline_mode<synchronous>, transform_indices = @transform_4, window_bounds = array<i64: 1, 128>}, {transform_indices = @transform_5, window_bounds = array<i64: 1000, 128>}]} {
    %get3A = arith.constant 0 : index
    %get3A_0 = arith.constant 0 : index
    %get3A_1 = vector.load %arg1[%get3A, %get3A_0] : memref<1000x64xf32, #tpu.memory_space<vmem>>, vector<1000x64xf32>
    %get3A_2 = arith.constant 0 : index
    %get3A_3 = arith.constant 0 : index
    %get3A_4 = vector.load %arg2[%get3A_2, %get3A_3] : memref<1000x64xf32, #tpu.memory_space<vmem>>, vector<1000x64xf32>
    %concatenate3A = tpu.concatenate %get3A_1, %get3A_4 in 1 : vector<1000x64xf32>, vector<1000x64xf32> -> vector<1000x128xf32>
    %get3A_5 = arith.constant 0 : index
    %get3A_6 = arith.constant 0 : index
    %get3A_7 = vector.load %arg3[%get3A_5, %get3A_6] : memref<1000x1xf32, #tpu.memory_space<vmem>>, vector<1000x1xf32>
    %div3A = vector.broadcast %get3A_7 : vector<1000x1xf32> to vector<1000x128xf32>
    %div3A_8 = arith.divf %concatenate3A, %div3A : vector<1000x128xf32>
    %get3A_9 = arith.constant 0 : index
    %get3A_10 = arith.constant 0 : index
    %get3A_11 = vector.load %arg4[%get3A_9, %get3A_10] : memref<128x128xf32, #tpu.memory_space<vmem>>, vector<128x128xf32>
    %dot_general3A = arith.constant dense<0.000000e+00> : vector<1000x128xf32>
    %dot_general3A_12 = tpu.matmul %div3A_8, %get3A_11, %dot_general3A {dimension_numbers = #tpu.dot_dimension_numbers<[1], [0], [0], [1], [0, 0, 1, 1], [], []>, transpose_lhs_hint = false} : vector<1000x128xf32>, vector<128x128xf32>, vector<1000x128xf32> -> vector<1000x128xf32>
    %get3A_13 = arith.constant 0 : index
    %get3A_14 = arith.constant 0 : index
    %get3A_15 = vector.load %arg5[%get3A_13, %get3A_14] : memref<1x128xf32, #tpu.memory_space<vmem>>, vector<1x128xf32>
    %add3A = vector.broadcast %get3A_15 : vector<1x128xf32> to vector<1000x128xf32>
    %add3A_16 = arith.addf %dot_general3A_12, %add3A : vector<1000x128xf32>
    %max3A = arith.constant 0.000000e+00 : f32
    %max3A_17 = vector.broadcast %max3A : f32 to vector<1000x128xf32>
    %max3A_18 = arith.maximumf %add3A_16, %max3A_17 : vector<1000x128xf32>
    %swap3A = arith.constant 0 : index
    %swap3A_19 = arith.constant 0 : index
    %swap3A_20 = vector.load %arg6[%swap3A, %swap3A_19] : memref<1000x128xf32, #tpu.memory_space<vmem>>, vector<1000x128xf32>
    tpu.vector_store %arg6[%swap3A, %swap3A_19], %max3A_18 {strides = array<i32>} : memref<1000x128xf32, #tpu.memory_space<vmem>>, vector<1000x128xf32>,
    return
  }
  func.func @transform_0(%arg0: i32) -> (i32, i32) {
    %c0_i32 = arith.constant 0 : i32
    %c0_i32_0 = arith.constant 0 : i32
    return %arg0, %c0_i32 : i32, i32
  }
  func.func @transform_1(%arg0: i32) -> (i32, i32) {
    %c0_i32 = arith.constant 0 : i32
    %c0_i32_0 = arith.constant 0 : i32
    return %arg0, %c0_i32 : i32, i32
  }
  func.func @transform_2(%arg0: i32) -> (i32, i32) {
    %c0_i32 = arith.constant 0 : i32
    %c0_i32_0 = arith.constant 0 : i32
    return %arg0, %c0_i32 : i32, i32
  }
  func.func @transform_3(%arg0: i32) -> (i32, i32) {
    %c0_i32 = arith.constant 0 : i32
    %c0_i32_0 = arith.constant 0 : i32
    %c0_i32_1 = arith.constant 0 : i32
    return %c0_i32, %c0_i32_0 : i32, i32
  }
  func.func @transform_4(%arg0: i32) -> (i32, i32) {
    %c0_i32 = arith.constant 0 : i32
    %c0_i32_0 = arith.constant 0 : i32
    %c0_i32_1 = arith.constant 0 : i32
    return %c0_i32, %c0_i32_0 : i32, i32
  }
  func.func @transform_5(%arg0: i32) -> (i32, i32) {
    %c0_i32 = arith.constant 0 : i32
    %c0_i32_0 = arith.constant 0 : i32
    return %arg0, %c0_i32 : i32, i32
  }
}

</mosaic_0001>

<sc_bundles>
// kernel: kernel.10.cloned.1.call-start
scs
__scs_entry_jumppad:
0x0: {  	(pc) =	sbr.rel $0x88, $3  }
0x1: {  	(tag) =	ssettag $0x0;
	lr =	simm.s32 $0x1  }
0x2: {  	[smem:$0x3F94] =	sst lr;
	_ =	strace $0xD0000000  }
0x3: {  	_ = 	snop  }
0x4: {  	_ = 	snop  }
0x5: {  	_ = 	snop  }
0x6: {  	_ = 	snop  }
0x7: {  	_ = 	snop  }
__scs_overlays_trampoline_lowered:
0x8: {  	[smem:$0x3FA3] =	sst s0  }
0x9: {  	[smem:$0x3FA4] =	sst s1  }
0xa: {  	[smem:$0x3FA5] =	sst s2  }
0xb: {  	[smem:$0x3FA6] =	sst s3  }
0xc: {  	[smem:$0x3FA7] =	sst s4  }
0xd: {  	[smem:$0x3FA8] =	sst s5  }
0xe: {  	[smem:$0x3FA9] =	sst s6  }
0xf: {  	[smem:$0x3FAA] =	sst s7  }
0x10: {  	[smem:$0x3FAB] =	sst s8  }
0x11: {  	[smem:$0x3FAC] =	sst s9;
	s0 =	simm.s32 @!p0 $0x0  }
0x12: {  	s1 =	sld [smem:$0x3F92];
	s0 =	simm.s32 @p0 $0x1  }
0x13: {  	[smem:$0x3FAD] =	sst s0;
	s0 =	simm.s32 @!p1 $0x0  }
0x14: {  	s2 =	sld [smem:$0x3F91];
	s0 =	simm.s32 @p1 $0x1  }
0x15: {  	[smem:$0x3FAE] =	sst s0;
	s0 =	simm.s32 @!p2 $0x0  }
0x16: {  	s3 =	sld [smem:$0x3FDB];
	s0 =	simm.s32 @p2 $0x1  }
0x17: {  	s4 =	simm.s32 $0x1BF5;
	[smem:$0x3FB0] =	sst s0  }
0x18: {  	s0 =	sld [smem:$0x3F93];
	_ =	swait.ge [sflag:s4], $0x0  }
0x19: {  	s7 =	sld [smem:$0x3F94]  }
0x1a: {  	s8 =	sadd.s32 $0xFFFFE003, lr  }
0x1b: {  	s9 =	sadd.s32 $0xFFFFFEF7, lr;
	s5 =	simm.s32 $0xFFFFFFFF;
	p2 =	slt.u32 s8, $0xFFFFF086  }
0x1c: {  	p1 =	slt.u32 s9, $0xF7A;
	s5 =	simm.s32 @!p2 $0x0  }
0x1d: {  	s5 =	simm.s32 @p1 $0x1;
	p0 =	seq.s32 s7, s2  }
0x1e: {  	s7 =	smul.u32 @!p0 $0xF7A, s2;
	p2 =	seq.s32 @!p0 s5, $0x0  }
0x1f: {  	s9 =	smul.u32 $0xF7A, s1;
	s8 =	simm.s32 @!p0 $0x1BF5;
	p2 =	por !p2, p0  }
0x20: {  	[sflag:s8] =	ssyncset.s32 @!p0 $0xFFFFF086;
	s6 =	sadd.s32 @!p0 s3, s7;
	s7 =	simm.s32 @!p0 $0x108  }
0x21: {  	s3 =	sadd.s32 s3, s9;
	s6 =	sadd.s32 @!p0 $0x88, s6;
	s7 =	simm.s32 @p2 $0x1082  }
0x22: {  	[simem:s7], [sflag:s8] =	dma.local @!p0 [hbm:s6], $0xF7A  }
0x23: {  	s9 =	sor.u32 $0xD0000000, s2;
	s6 =	simm.s32 $0x108;
	_ =	swait.ge @!p0 [sflag:s8], $0x0  }
0x24: {  	s3 =	sadd.s32 $0x88, s3;
	s6 =	simm.s32 @!p1 $0x1082;
	[sflag:s4] =	ssyncset.s32 $0xFFFFF086  }
0x25: {  	[simem:s6], [sflag:s4] =	dma.local [hbm:s3], $0xF7A  }
0x26: {  	[smem:$0x3F94] =	sst s1;
	(tag) =	ssettag s2;
	_ =	strace s9  }
0x27: {  	s1 =	sld [smem:$0x3FA4]  }
0x28: {  	s2 =	sld [smem:$0x3FA5]  }
0x29: {  	s4 =	sld [smem:$0x3FA7]  }
0x2a: {  	p0 =	seq.s32 s5, $0x0;
	s5 =	sld [smem:$0x3FA8]  }
0x2b: {  	s6 =	sld [smem:$0x3FA9]  }
0x2c: {  	s7 =	sld [smem:$0x3FAA]  }
0x2d: {  	s3 =	simm.s32 $0x108;
	s8 =	sld [smem:$0x3FAB]  }
0x2e: {  	s3 =	simm.s32 @!p0 $0x1082;
	s9 =	sld [smem:$0x3FAC]  }
0x2f: {  	lr =	sadd.s32 s0, s3;
	s0 =	sld [smem:$0x3FA3]  }
0x30: {  	s3 =	sld [smem:$0x3FA6]  }
0x31: {  	[smem:$0x3FAF] =	sst s10  }
0x32: {  	s10 =	sld [smem:$0x3FAD];
	_ =	sdelay $0x3  }
0x33: {  	p0 =	seq.s32 s10, $0x1;
	s10 =	sld [smem:$0x3FAF];
	_ =	sdelay $0x3  }
0x34: {  	[smem:$0x3FAF] =	sst s10  }
0x35: {  	s10 =	sld [smem:$0x3FAE];
	_ =	sdelay $0x3  }
0x36: {  	p1 =	seq.s32 s10, $0x1;
	s10 =	sld [smem:$0x3FAF];
	_ =	sdelay $0x3  }
0x37: {  	[smem:$0x3FAF] =	sst s10  }
0x38: {  	s10 =	sld [smem:$0x3FB0]  }
0x39: {  	_ = 	snop;
	(pc) =	sbr.ind lr, $3  }
0x3a: {  	_ = 	snop  }
0x3b: {  	_ = 	snop  }
0x3c: {  	p2 =	seq.s32 s10, $0x1;
	s10 =	sld [smem:$0x3FAF]  }
0x3d: {  	_ =	shalt  }
0x3e: {  	_ =	shalt  }
0x3f: {  	_ =	shalt  }
0x40: {  	_ =	shalt  }
0x41: {  	_ =	shalt  }
0x42: {  	_ =	shalt  }
0x43: {  	_ =	shalt  }
0x44: {  	_ =	shalt  }
0x45: {  	_ =	shalt  }
0x46: {  	_ =	shalt  }
0x47: {  	_ =	shalt  }
0x48: {  	_ =	shalt  }
0x49: {  	_ =	shalt  }
0x4a: {  	_ =	shalt  }
0x4b: {  	_ =	shalt  }
0x4c: {  	_ =	shalt  }
0x4d: {  	_ =	shalt  }
0x4e: {  	_ =	shalt  }
0x4f: {  	_ =	shalt  }
0x50: {  	_ =	shalt  }
0x51: {  	_ =	shalt  }
0x52: {  	_ =	shalt  }
0x53: {  	_ =	shalt  }
0x54: {  	_ =	shalt  }
0x55: {  	_ =	shalt  }
0x56: {  	_ =	shalt  }
0x57: {  	_ =	shalt  }
0x58: {  	_ =	shalt  }
0x59: {  	_ =	shalt  }
0x5a: {  	_ =	shalt  }
0x5b: {  	_ =	shalt  }
0x5c: {  	_ =	shalt  }
0x5d: {  	_ =	shalt  }
0x5e: {  	_ =	shalt  }
0x5f: {  	_ =	shalt  }
0x60: {  	_ =	shalt  }
0x61: {  	_ =	shalt  }
0x62: {  	_ =	shalt  }
0x63: {  	_ =	shalt  }
0x64: {  	_ =	shalt  }
0x65: {  	_ =	shalt  }
0x66: {  	_ =	shalt  }
0x67: {  	_ =	shalt  }
0x68: {  	_ =	shalt  }
0x69: {  	_ =	shalt  }
0x6a: {  	_ =	shalt  }
0x6b: {  	_ =	shalt  }
0x6c: {  	_ =	shalt  }
0x6d: {  	_ =	shalt  }
0x6e: {  	_ =	shalt  }
0x6f: {  	_ =	shalt  }
0x70: {  	_ =	shalt  }
0x71: {  	_ =	shalt  }
0x72: {  	_ =	shalt  }
0x73: {  	_ =	shalt  }
0x74: {  	_ =	shalt  }
0x75: {  	_ =	shalt  }
0x76: {  	_ =	shalt  }
0x77: {  	_ =	shalt  }
0x78: {  	_ =	shalt  }
0x79: {  	_ =	shalt  }
0x7a: {  	_ =	shalt  }
0x7b: {  	_ =	shalt  }
0x7c: {  	_ =	shalt  }
0x7d: {  	_ =	shalt  }
0x7e: {  	_ =	shalt  }
0x7f: {  	_ =	shalt  }
0x80: {  	_ =	shalt  }
0x81: {  	_ =	shalt  }
0x82: {  	_ =	shalt  }
0x83: {  	_ =	shalt  }
0x84: {  	_ =	shalt  }
0x85: {  	_ =	shalt  }
0x86: {  	_ =	shalt  }
0x87: {  	_ =	shalt  }
.Lfunc_end0:
.L_simem_size_0:
called_computation.1_lowered:
.L_overlay_start_0:
0x88: {  	s2 =	sld [smem:$0x3FD9]  }
0x89: {  	s3 =	sld [smem:$0x3FFE];
	_ =	sdelay $0x1  }
0x8a: {  	s1 =	srdreg.scid  }
0x8b: {  	s0 =	sand.u32 $0x1, s1  }
0x8c: {  	s14 =	sshll.u32 s0, $0xA;
	s2 =	sadd.s32 s3, s2  }
0x8d: {  	s2 =	sadd.s32 s2, s14  }
0x8e: {  	[smem:$0x3FBB] =	sst s2  }
0x8f: {  	_ = 	snop  }
0x90: {  	s2 =	sld [smem:$0x3FD0];
	_ =	sdelay $0x2  }
0x91: {  	s15 =	simm.s32 $0xA;
	s4 =	simm.s32 $0x10  }
0x92: {  	[smem:s4], [sflag:s15] =	dma.local [hbm:s2], $0x1  }
0x93: {  	_ =	swait.eq [sflag:s15], $0x1  }
0x94: {  	[sflag:s15] =	ssyncset.done $0x0  }
0x95: {  	[sflag:s15] =	ssyncadd.s32 $0xFFFFFFFF  }
0x96: {  	s16 =	sld [smem:$0x10];
	(tm) =	ssettm $0x1  }
0x97: {  	s17 =	sld [smem:$0x3FFB];
	_ =	sdelay $0x3  }
0x98: {  	_ =	strace s17  }
0x99: {  	s3 =	sld [smem:$0x3FFC];
	_ =	sdelay $0x3  }
0x9a: {  	_ =	strace s3  }
0x9b: {  	s3 =	sld [smem:$0x3FFD];
	_ =	sdelay $0x3  }
0x9c: {  	_ =	strace s3  }
0x9d: {  	_ =	strace $0x8FFFFFFF  }
0x9e: {  	s18 =	sld [smem:$0x3FDB];
	_ =	sdelay $0x1  }
0x9f: {  	s19 =	simm.s32 $_scs_section_size  }
0xa0: {  	s5 =	simm.s32 $_size__tile_overlayer_lowered;
	s6 =	simm.s32 $_tile_overlayer_lowered  }
0xa1: {  	s22 =	simm.s32 $0x1BFF;
	s21 =	sshll.u32 s6, $0x1;
	s3 =	sadd.s32 s19, s18  }
0xa2: {  	s7 =	simm.s32 $0x0;
	s20 =	sshll.u32 s5, $0x1;
	s5 =	sadd.s32 s21, s3  }
0xa3: {  	[timem:s7], [sflag:s22] =	dma.local [hbm:s5], s20  }
0xa4: {  	_ =	swait.ge [sflag:s22], s20  }
0xa5: {  	s4 =	ssub.s32 $0x0, s20;
	[sflag:s22] =	ssyncset.done $0x0  }
0xa6: {  	[sflag:s22] =	ssyncadd.s32 s4;
	_ =	sdelay $0x1  }
0xa7: {  	s23 =	simm.s32 $0x1B8B  }
0xa8: {  	_ =	swait.ge [sflag:s23], $0x1  }
0xa9: {  	[sflag:s23] =	ssyncset.done $0x0  }
0xaa: {  	s25 =	simm.s32 $0x1B8E;
	s24 =	sld [smem:$0x3FFE];
	[sflag:s23] =	ssyncadd.s32 $0xFFFFFFFF  }
0xab: {  	s26 =	simm.s32 $execute0_lowered;
	[smem:$0x3FD2] =	sst s25  }
0xac: {  	s5 =	sshll.u32 s26, $0x1;
	_ =	strace $0x80000049;
	[dreg:$0x1] =	wrdreg $0xFFFFFFFF  }
0xad: {  	s28 =	simm.s32 $_size_execute0_lowered;
	s3 =	sadd.s32 s3, s5;
	[dreg:$0x0] =	wrdreg $0x0  }
0xae: {  	s5 =	sshll.u32 s28, $0x1;
	[dreg:$0x2] =	wrdreg s3  }
0xaf: {  	[dreg:$0x3] =	wrdreg s5  }
0xb0: {  	[dreg:$0x4] =	wrdreg $0xC0  }
0xb1: {  	_ =	task [dreg:s7], $0x5FFFF  }
0xb2: {  	[dreg:$0x1] =	wrdreg $0xFFFFFFFF  }
0xb3: {  	[dreg:$0x0] =	wrdreg $0x60  }
0xb4: {  	[dreg:$0x2] =	wrdreg s16  }
0xb5: {  	[dreg:$0x3] =	wrdreg s24  }
0xb6: {  	[dreg:$0x4] =	wrdreg $0xED000  }
0xb7: {  	[dreg:$0x5] =	wrdreg $0x9  }
0xb8: {  	_ =	task.clear_ibuf [dreg:s7], $0x6FFFF;
	_ =	strace $0x90000049  }
0xb9: {  	s29 =	simm.s32 $0x9;
	_ =	strace $0x8000004B  }
0xba: {  	_ =	swait.ge [sflag:s29], $0x1  }
0xbb: {  	[sflag:s29] =	ssyncadd.s32 $0xFFFFFFFF  }
0xbc: {  	_ =	strace $0x9000004B  }
0xbd: {  	_ =	sfence  }
0xbe: {  	s30 =	sld [smem:$0x0];
	_ =	sdelay $0x2  }
0xbf: {  	s31 =	sshll.u32 s1, $0xD;
	s1 =	sshrl.u32 s1, $0x2  }
0xc0: {  	s3 =	sand.u32 $0x4000, s31;
	s1 =	sadd.s32 s1, s30  }
0xc1: {  	s0 =	sor.u32 s3, s0;
	s1 =	sshll.u32 s1, $0x11  }
0xc2: {  	s0 =	sor.u32 s1, s0  }
0xc3: {  	s0 =	sadd.s32 $0x8F2B, s0  }
0xc4: {  	[sflag:s0] =	ssyncadd.remote.s32 $0x1  }
0xc5: {  	_ =	sfence.sel $0xFFFF  }
0xc6: {  	[dreg:$0x0] =	wrdreg $0xFFFFFFFF;
	(pc) =	sbr.abs _section_cstart, $3  }
0xc7: {  	[dreg:$0x1] =	wrdreg $0xFFFFFFFF  }
0xc8: {  	_ =	task.clear_ibuf [dreg:s7], $0x2FFFF;
	_ =	strace $0x9FFFFFFF  }
0xc9: {  	(tm) =	ssettm $0x7FFFFFFF  }
tec
execute0_lowered:
.L_overlay_start_1:
0x0: {  	(tag) =	ssettag $0x1  }
0x1: {  	s15 =	stileid.u32;
	s0 =	srdreg.scid  }
0x2: {  	s1 =	rddreg [dreg:$0x0];
	s2 =	smul.u32 $0x9D0, s15  }
0x3: {  	s8 =	rddreg [dreg:$0x1];
	s5 =	smul.u32 $0xA000, s15  }
0x4: {  	s4 =	simm.s32 $0x0;
	s13 =	sand.u32 $0x1, s0;
	s15 =	smul.u32 $0x28000, s15  }
0x5: {  	[smem:$0x7FF] =	sst s4;
	s0 =	sadd.s32 $0x34200, s8;
	s3 =	smul.u32 $0xA0000, s13  }
0x6: {  	s9 =	ssub.s32 $0x2, s13;
	v0 =	vmov s13;
	s13 =	simm.s32 $0x4;
	s2 =	sadd.s32 s2, s8  }
0x7: {  	s6 =	sshrl.u32 s9, $0x1;
	s7 =	sor.u32 $0x1000, s5;
	s20 =	sadd.s32 $0x6000, s5  }
0x8: {  	s25 =	sshrl.u32 s15, $0x2;
	s4 =	ssub.s32 s9, s6;
	s10 =	sadd.s32 s3, s5  }
0x9: {  	s8 =	sadd.s32 s3, s7;
	s9 =	sadd.s32 $0x2000, s5;
	s21 =	sadd.s32 s3, s20  }
0xa: {  	s26 =	sadd.s32 $0x20600, s2;
	s6 =	sshrl.u32 s10, $0x3;
	s11 =	sshrl.u32 s8, $0x3  }
0xb: {  	s12 =	sadd.s32 s3, s9;
	s8 =	sadd.s32 $0x3000, s5;
	s10 =	sadd.s32 $0x4000, s5  }
0xc: {  	s4 =	smax.u32 s4, $0x1;
	s6 =	sadd.s32 s0, s6;
	s14 =	sshrl.u32 s12, $0x3  }
0xd: {  	s16 =	sadd.s32 s3, s8;
	[dreg:$0x4] =	wrdreg s6;
	s6 =	sadd.s32 s0, s11  }
0xe: {  	s11 =	sadd.s32 s3, s10;
	[dreg:$0x5] =	wrdreg s6;
	s6 =	sadd.s32 s0, s14  }
0xf: {  	s14 =	sadd.s32 $0x5000, s5;
	s17 =	sshrl.u32 s11, $0x3;
	[dreg:$0x6] =	wrdreg s6  }
0x10: {  	s6 =	sshrl.u32 s16, $0x3;
	s18 =	sadd.s32 s3, s14;
	s16 =	sadd.s32 $0x7000, s5  }
0x11: {  	s6 =	sadd.s32 s0, s6;
	s19 =	sshrl.u32 s18, $0x3;
	s12 =	sadd.s32 s3, s16  }
0x12: {  	s18 =	sadd.s32 $0x9000, s5;
	[dreg:$0x7] =	wrdreg s6;
	s6 =	sadd.s32 s0, s17  }
0x13: {  	s17 =	sadd.s32 $0x8000, s5;
	s22 =	sshrl.u32 s12, $0x3;
	s12 =	rddreg [dreg:$0x2]  }
0x14: {  	[dreg:$0x8] =	wrdreg s6;
	s6 =	sadd.s32 s0, s19;
	s23 =	sadd.s32 s3, s17  }
0x15: {  	s3 =	sadd.s32 s3, s18;
	s15 =	sadd.s32 s25, s12;
	s5 =	sadd.s32 s5, s12  }
0x16: {  	s10 =	sadd.s32 s10, s12;
	s14 =	sadd.s32 s14, s12;
	s19 =	sadd.s32 s20, s12  }
0x17: {  	s20 =	sadd.s32 s16, s12;
	[dreg:$0x9] =	wrdreg s6;
	s6 =	sshrl.u32 s21, $0x3  }
0x18: {  	s24 =	sshrl.u32 s23, $0x3;
	s3 =	sshrl.u32 s3, $0x3;
	s21 =	sadd.s32 s17, s12  }
0x19: {  	s23 =	sshrl.u32 s10, $0x3;
	s30 =	sadd.s32 $0x1000, s15;
	s31 =	sadd.s32 $0x2000, s15  }
0x1a: {  	s11 =	sadd.s32 $0x3000, s15;
	s10 =	simm.s32 $0x1;
	s6 =	sadd.s32 s0, s6  }
0x1b: {  	s28 =	sshrl.u32 s21, $0x3;
	[dreg:$0xa] =	wrdreg s6;
	s6 =	sadd.s32 s0, s22  }
0x1c: {  	s22 =	sadd.s32 s18, s12;
	[dreg:$0xb] =	wrdreg s6;
	s6 =	sadd.s32 s0, s24  }
0x1d: {  	s0 =	sadd.s32 s0, s3;
	s3 =	sadd.s32 $0x2A400, s2;
	[dreg:$0xc] =	wrdreg s6  }
0x1e: {  	s29 =	sshrl.u32 s22, $0x3;
	s2 =	sadd.s32 $0x5000, s15;
	[dreg:$0xd] =	wrdreg s0  }
0x1f: {  	s6 =	sadd.s32 s7, s12;
	_ =	strace $0x8000004A;
	[dreg:$0xe] =	wrdreg s26  }
0x20: {  	s7 =	sadd.s32 s9, s12;
	s9 =	sadd.s32 s8, s12;
	[dreg:$0xf] =	wrdreg s3  }
0x21: {  	s0 =	sshrl.u32 s5, $0x3;
	s5 =	sadd.s32 $0x8000, s15;
	[dreg:$0x10] =	wrdreg s4  }
0x22: {  	s8 =	simm.s32 $0x3;
	[dreg:$0x11] =	wrdreg s0;
	s24 =	sshrl.u32 s6, $0x3  }
0x23: {  	s25 =	sshrl.u32 s7, $0x3;
	s26 =	sshrl.u32 s9, $0x3;
	s0 =	sadd.s32 $0x4000, s15  }
0x24: {  	s3 =	sadd.s32 $0x6000, s15;
	s4 =	sadd.s32 $0x7000, s15;
	[dreg:$0x12] =	wrdreg s24  }
0x25: {  	s6 =	sadd.s32 $0x9000, s15;
	s7 =	simm.s32 $0xDD00;
	[dreg:$0x13] =	wrdreg s25  }
0x26: {  	s9 =	simm.s32 $0x9D00;
	[dreg:$0x14] =	wrdreg s26;
	s24 =	sshrl.u32 s14, $0x3  }
0x27: {  	v1 =	vimm.f32 $0.0e+00;
	s25 =	sshrl.u32 s19, $0x3;
	s26 =	sshrl.u32 s20, $0x3;
	s14 =	simm.s32 $0x0  }
.LBB2_1:
0x28: {  	s17 =	simm.s32 $0x100;
	s16 =	simm.s32 $0x0  }
.LBB2_2:
0x29: {  	p0 =	sne.s32 s17, $0x3F00;
	[tilespmem:s16+$0xDD30] =	vst v1;
	s18 =	smov.u32 s17;
	s17 =	sadd.s32 $0x100, s17  }
.Ltmp0:
0x2a: {  	[tilespmem:s16+$0xDD20] =	vst v1;
	(pc) =	sbr.rel @p0 .LBB2_2-.Ltmp0, $3  }
0x2b: {  	[tilespmem:s16+$0xDD00] =	vst v1  }
0x2c: {  	[tilespmem:s16+$0xDD10] =	vst v1;
	_ =	sdelay $0x1  }
0x2d: {  	s16 =	sshra.s32 s18, $0x2  }
0x2e: {  	[tilespmem:s16+$0xDD30] =	vst v1  }
0x2f: {  	[tilespmem:s16+$0xDD20] =	vst v1  }
0x30: {  	[tilespmem:s16+$0xDD00] =	vst v1  }
0x31: {  	[tilespmem:s16+$0xDD10] =	vst v1  }
0x32: {  	[spmem:s15] =	stream.linear.scatter [tilespmem:s7], [sflag:$0x3], $0x1000, $0x38;
	[tilespmem:$0x18D00] =	vst v63  }
0x33: {  	_ =	swait.ge [sflag:s8], $0x1000  }
0x34: {  	[sflag:s8] =	ssyncset.done $0x0  }
0x35: {  	[sflag:s8] =	ssyncadd.s32 $0xFFFFF000  }
0x36: {  	[spmem:s30] =	stream.linear.scatter [tilespmem:s7], [sflag:$0x3], $0x1000, $0x38;
	[tilespmem:$0x18D00] =	vst v63  }
0x37: {  	_ =	swait.ge [sflag:s8], $0x1000  }
0x38: {  	[sflag:s8] =	ssyncset.done $0x0  }
0x39: {  	[sflag:s8] =	ssyncadd.s32 $0xFFFFF000  }
0x3a: {  	[spmem:s31] =	stream.linear.scatter [tilespmem:s7], [sflag:$0x3], $0x1000, $0x38;
	[tilespmem:$0x18D00] =	vst v63  }
0x3b: {  	_ =	swait.ge [sflag:s8], $0x1000  }
0x3c: {  	[sflag:s8] =	ssyncset.done $0x0  }
0x3d: {  	[sflag:s8] =	ssyncadd.s32 $0xFFFFF000  }
0x3e: {  	[spmem:s11] =	stream.linear.scatter [tilespmem:s7], [sflag:$0x3], $0x1000, $0x38;
	[tilespmem:$0x18D00] =	vst v63  }
0x3f: {  	_ =	swait.ge [sflag:s8], $0x1000  }
0x40: {  	[sflag:s8] =	ssyncset.done $0x0  }
0x41: {  	[sflag:s8] =	ssyncadd.s32 $0xFFFFF000  }
0x42: {  	[spmem:s0] =	stream.linear.scatter [tilespmem:s7], [sflag:$0x3], $0x1000, $0x38;
	[tilespmem:$0x18D00] =	vst v63  }
0x43: {  	_ =	swait.ge [sflag:s8], $0x1000  }
0x44: {  	[sflag:s8] =	ssyncset.done $0x0  }
0x45: {  	[sflag:s8] =	ssyncadd.s32 $0xFFFFF000  }
0x46: {  	[spmem:s2] =	stream.linear.scatter [tilespmem:s7], [sflag:$0x3], $0x1000, $0x38;
	[tilespmem:$0x18D00] =	vst v63  }
0x47: {  	_ =	swait.ge [sflag:s8], $0x1000  }
0x48: {  	[sflag:s8] =	ssyncset.done $0x0  }
0x49: {  	[sflag:s8] =	ssyncadd.s32 $0xFFFFF000  }
0x4a: {  	[spmem:s3] =	stream.linear.scatter [tilespmem:s7], [sflag:$0x3], $0x1000, $0x38;
	[tilespmem:$0x18D00] =	vst v63  }
0x4b: {  	_ =	swait.ge [sflag:s8], $0x1000  }
0x4c: {  	[sflag:s8] =	ssyncset.done $0x0  }
0x4d: {  	[sflag:s8] =	ssyncadd.s32 $0xFFFFF000  }
0x4e: {  	[spmem:s4] =	stream.linear.scatter [tilespmem:s7], [sflag:$0x3], $0x1000, $0x38;
	[tilespmem:$0x18D00] =	vst v63  }
0x4f: {  	_ =	swait.ge [sflag:s8], $0x1000  }
0x50: {  	[sflag:s8] =	ssyncset.done $0x0  }
0x51: {  	[sflag:s8] =	ssyncadd.s32 $0xFFFFF000  }
0x52: {  	[spmem:s5] =	stream.linear.scatter [tilespmem:s7], [sflag:$0x3], $0x1000, $0x38;
	[tilespmem:$0x18D00] =	vst v63  }
0x53: {  	_ =	swait.ge [sflag:s8], $0x1000  }
0x54: {  	[sflag:s8] =	ssyncset.done $0x0  }
0x55: {  	[sflag:s8] =	ssyncadd.s32 $0xFFFFF000  }
0x56: {  	[spmem:s6] =	stream.linear.scatter [tilespmem:s7], [sflag:$0x3], $0x1000, $0x38;
	[tilespmem:$0x18D00] =	vst v63  }
0x57: {  	_ =	swait.ge [sflag:s8], $0x1000  }
0x58: {  	[sflag:s8] =	ssyncset.done $0x0  }
0x59: {  	s21 =	simm.s32 $0x0;
	s17 =	rddreg [dreg:$0xe];
	[sflag:s8] =	ssyncadd.s32 $0xFFFFF000  }
0x5a: {  	[tilespmem:s21], [sflag:$0x3] =	stream.linear.gather [hbm4b:s17+s21], $0x4E80, $0x38;
	[tilespmem:$0x18D00] =	vst v63  }
0x5b: {  	_ =	swait.ge [sflag:s8], $0x4E80  }
0x5c: {  	[sflag:s8] =	ssyncset.done $0x0  }
0x5d: {  	s18 =	simm.s32 $0x4E80;
	s22 =	rddreg [dreg:$0xf];
	[sflag:s8] =	ssyncadd.s32 $0xFFFFB180  }
0x5e: {  	[tilespmem:s18], [sflag:$0x3] =	stream.linear.gather [hbm4b:s22+s21], $0x4E80, $0x38;
	[tilespmem:$0x18D00] =	vst v63  }
0x5f: {  	_ =	swait.ge [sflag:s8], $0x4E80  }
0x60: {  	[sflag:s8] =	ssyncset.done $0x0  }
0x61: {  	s16 =	simm.s32 $0x70;
	[sflag:s8] =	ssyncadd.s32 $0xFFFFB180  }
0x62: {  	v4 =	vld [tilespmem:s16+$0xFFFFFF90]  }
0x63: {  	v6 =	vld [tilespmem:s16+$0xFFFFFFA0]  }
0x64: {  	v5 =	vld [tilespmem:s16+$0xFFFFFFB0]  }
0x65: {  	v3 =	vld [tilespmem:s16+$0xFFFFFFC0]  }
0x66: {  	v2 =	vld [tilespmem:s16+$0xFFFFFFD0]  }
0x67: {  	s17 =	simm.s32 $0x3C0;
	v7 =	vadd.s32 v0, v4;
	v4 =	vld [tilespmem:s16+$0xFFFFFFE0]  }
.LBB2_4:
0x68: {  	p0 =	sne.s32 s17, $0x139C0;
	[tilespmem:s16+$0xFFFFFF90] =	vst v7;
	v6 =	vadd.s32 v0, v6;
	v7 =	vld [tilespmem:s16+$0x0]  }
0x69: {  	s18 =	sshra.s32 s17, $0x2;
	[tilespmem:s16+$0xFFFFFFA0] =	vst v6;
	v5 =	vadd.s32 v0, v5;
	v8 =	vld [tilespmem:s16+$0xFFFFFFF0]  }
0x6a: {  	v9 =	vld [tilespmem:s18+$0xFFFFFF90];
	[tilespmem:s16+$0xFFFFFFB0] =	vst v5;
	v3 =	vadd.s32 v0, v3  }
.Ltmp1:
0x6b: {  	v6 =	vld [tilespmem:s18+$0xFFFFFFA0];
	[tilespmem:s16+$0xFFFFFFC0] =	vst v3;
	v2 =	vadd.s32 v0, v2;
	(pc) =	sbr.rel @p0 .LBB2_4-.Ltmp1, $4  }
0x6c: {  	v5 =	vld [tilespmem:s18+$0xFFFFFFB0];
	[tilespmem:s16+$0xFFFFFFD0] =	vst v2;
	v2 =	vadd.s32 v0, v4  }
0x6d: {  	v3 =	vld [tilespmem:s18+$0xFFFFFFC0];
	[tilespmem:s16+$0xFFFFFFE0] =	vst v2;
	v4 =	vadd.s32 v0, v7  }
0x6e: {  	v2 =	vld [tilespmem:s18+$0xFFFFFFD0];
	v8 =	vadd.s32 v0, v8;
	[tilespmem:s16+$0x0] =	vst v4  }
0x6f: {  	s17 =	sadd.s32 $0x200, s17;
	v7 =	vadd.s32 v0, v9;
	v4 =	vld [tilespmem:s18+$0xFFFFFFE0];
	[tilespmem:s16+$0xFFFFFFF0] =	vst v8;
	s16 =	smov.u32 s18  }
0x70: {  	[tilespmem:s16+$0xFFFFFF90] =	vst v7;
	v6 =	vadd.s32 v0, v6;
	v62 =	vld [tilespmem:s16+$0x0]  }
0x71: {  	v63 =	vld [tilespmem:s16+$0xFFFFFFF0];
	[tilespmem:s16+$0xFFFFFFA0] =	vst v6;
	v5 =	vadd.s32 v0, v5  }
0x72: {  	[tilespmem:s16+$0xFFFFFFB0] =	vst v5;
	v3 =	vadd.s32 v0, v3  }
0x73: {  	[tilespmem:s16+$0xFFFFFFC0] =	vst v3;
	v2 =	vadd.s32 v0, v2  }
0x74: {  	[tilespmem:s16+$0xFFFFFFD0] =	vst v2;
	v2 =	vadd.s32 v0, v4  }
0x75: {  	[tilespmem:s16+$0xFFFFFFE0] =	vst v2;
	v2 =	vadd.s32 v0, v62  }
0x76: {  	v3 =	vadd.s32 v0, v63;
	[tilespmem:s16+$0x0] =	vst v2  }
0x77: {  	[tilespmem:s16+$0xFFFFFFF0] =	vst v3  }
0x78: {  	s17 =	simm.s32 $0x0;
	s16 =	simm.s32 $0x80;
	[bflag:$0x0] =	sbarrier.arrive $0xFFFF  }
0x79: {  	[tilespmem:s9], [sflag:$0x1] =	stream.indirect.gather [hbm4b:s1+s16], $0x40, s17, s16, $0xb8;
	[tilespmem:$0x18D00] =	vst v63  }
0x7a: {  	s17 =	sand.u32 $0x1, s17  }
0x7b: {  	p0 =	seq.s32 s17, $0x1  }
0x7c: {  	p2 =	seq.s32 s17, $0x0;
	s18 =	simm.s32 @!p0 $0x80;
	s19 =	simm.s32 @!p0 $0xBD00  }
0x7d: {  	[tilespmem:s19], [sflag:$0x2] =	stream.indirect.gather @!p0 [hbm4b:s1+s18], $0x40, s16, s18, $0xb8;
	[tilespmem:$0x18D00] =	vst v63  }
0x7e: {  	p1 =	sne.s32 s17, $0x0;
	s18 =	simm.s32 @!p2 $0x80;
	s19 =	simm.s32 @!p2 $0x9D00  }
0x7f: {  	[tilespmem:s19], [sflag:$0x1] =	stream.indirect.gather @!p2 [hbm4b:s1+s18], $0x40, s16, s18, $0xb8;
	[tilespmem:$0x18D00] =	vst v63  }
0x80: {  	s16 =	simm.s32 @!p1 $0x1  }
0x81: {  	_ =	swait.ge @!p1 [sflag:s16], $0x2000  }
0x82: {  	s17 =	simm.s32 $0x4E80;
	s18 =	simm.s32 @!p1 $0x80;
	[sflag:s16] =	ssyncset.done @!p1 $0x0  }
0x83: {  	s19 =	simm.s32 @!p1 $0x9D00;
	[sflag:s16] =	ssyncadd.s32 @!p1 $0xFFFFE000;
	s16 =	simm.s32 @!p1 $0x4  }
0x84: {  	[spmem:s12] =	stream.indirect.scatter.add.f32 @!p1 [tilespmem:s19], [sflag:$0x4], $0x40, s17, s18, $0xb8;
	[tilespmem:$0x18D00] =	vst v63  }
0x85: {  	_ =	swait.ge @!p1 [sflag:s16], $0x2000  }
0x86: {  	p0 =	por p0, p0;
	[sflag:s16] =	ssyncset.done @!p1 $0x0  }
0x87: {  	s18 =	simm.s32 @p0 $0x2;
	[sflag:s16] =	ssyncadd.s32 @!p1 $0xFFFFE000  }
0x88: {  	_ =	swait.ge @p0 [sflag:s18], $0x2000  }
0x89: {  	s22 =	simm.s32 $0x1;
	[sflag:s18] =	ssyncset.done @p0 $0x0  }
0x8a: {  	s20 =	simm.s32 @p0 $0xBD00;
	s19 =	simm.s32 @p0 $0x80;
	[sflag:s18] =	ssyncadd.s32 @p0 $0xFFFFE000  }
0x8b: {  	[spmem:s12] =	stream.indirect.scatter.add.f32 @p0 [tilespmem:s20], [sflag:$0x3], $0x40, s17, s19, $0xb8;
	[tilespmem:$0x18D00] =	vst v63  }
0x8c: {  	s16 =	simm.s32 $0x4F00;
	s18 =	simm.s32 $0x2;
	s20 =	simm.s32 @p0 $0x3  }
0x8d: {  	s17 =	simm.s32 $0x100;
	s19 =	sand.u32 $0x1, s22;
	_ =	swait.ge @p0 [sflag:s20], $0x2000  }
.LBB2_6:
0x8e: {  	p3 =	seq.s32 s19, $0x1;
	p1 =	seq.s32 s19, $0x0;
	[sflag:s20] =	ssyncset.done @p0 $0x0  }
0x8f: {  	s21 =	simm.s32 @!p3 $0x80;
	s22 =	simm.s32 @!p3 $0xBD00;
	[sflag:s20] =	ssyncadd.s32 @p0 $0xFFFFE000  }
0x90: {  	[tilespmem:s22], [sflag:$0x2] =	stream.indirect.gather @!p3 [hbm4b:s1+s21], $0x40, s17, s21, $0xb8;
	[tilespmem:$0x18D00] =	vst v63  }
0x91: {  	p2 =	sne.s32 s19, $0x0;
	s20 =	simm.s32 @!p1 $0x80;
	s21 =	simm.s32 @!p1 $0x9D00  }
0x92: {  	[tilespmem:s21], [sflag:$0x1] =	stream.indirect.gather @!p1 [hbm4b:s1+s20], $0x40, s17, s20, $0xb8;
	[tilespmem:$0x18D00] =	vst v63  }
0x93: {  	s19 =	simm.s32 @!p2 $0x1;
	s21 =	smov.u32 s18;
	s18 =	sadd.s32 $0x1, s18  }
0x94: {  	p0 =	por p3, p3;
	p1 =	sne.s32 s18, $0x9C;
	_ =	swait.ge @!p2 [sflag:s19], $0x2000  }
0x95: {  	s22 =	simm.s32 @!p2 $0x9D00;
	s20 =	simm.s32 @!p2 $0x80;
	[sflag:s19] =	ssyncset.done @!p2 $0x0  }
0x96: {  	[sflag:s19] =	ssyncadd.s32 @!p2 $0xFFFFE000;
	s19 =	simm.s32 @!p2 $0x4  }
0x97: {  	[spmem:s12] =	stream.indirect.scatter.add.f32 @!p2 [tilespmem:s22], [sflag:$0x4], $0x40, s16, s20, $0xb8;
	[tilespmem:$0x18D00] =	vst v63  }
0x98: {  	_ =	swait.ge @!p2 [sflag:s19], $0x2000  }
0x99: {  	s20 =	simm.s32 @p0 $0x2;
	[sflag:s19] =	ssyncset.done @!p2 $0x0  }
0x9a: {  	[sflag:s19] =	ssyncadd.s32 @!p2 $0xFFFFE000  }
.Ltmp2:
0x9b: {  	_ =	swait.ge @p0 [sflag:s20], $0x2000;
	(pc) =	sbr.rel @p1 .LBB2_6-.Ltmp2, $4  }
0x9c: {  	s22 =	simm.s32 @p0 $0xBD00;
	s19 =	simm.s32 @p0 $0x80;
	[sflag:s20] =	ssyncset.done @p0 $0x0  }
0x9d: {  	s17 =	sadd.s32 $0x80, s17;
	[sflag:s20] =	ssyncadd.s32 @p0 $0xFFFFE000;
	s20 =	simm.s32 @p0 $0x3  }
0x9e: {  	[spmem:s12] =	stream.indirect.scatter.add.f32 @p0 [tilespmem:s22], [sflag:$0x3], $0x40, s16, s19, $0xb8;
	[tilespmem:$0x18D00] =	vst v63  }
0x9f: {  	s19 =	sand.u32 $0x1, s21;
	s16 =	sadd.s32 $0x80, s16;
	_ =	swait.ge @p0 [sflag:s20], $0x2000  }
0xa0: {  	p1 =	seq.s32 s19, $0x1;
	p2 =	seq.s32 s19, $0x0;
	[sflag:s20] =	ssyncset.done @p0 $0x0  }
0xa1: {  	s18 =	simm.s32 @!p1 $0x80;
	[sflag:s20] =	ssyncadd.s32 @p0 $0xFFFFE000;
	s20 =	simm.s32 @!p1 $0xBD00  }
0xa2: {  	[tilespmem:s20], [sflag:$0x2] =	stream.indirect.gather @!p1 [hbm4b:s1+s18], $0x40, s17, s18, $0xb8;
	[tilespmem:$0x18D00] =	vst v63  }
0xa3: {  	p0 =	sne.s32 s19, $0x0;
	s18 =	simm.s32 @!p2 $0x80;
	s20 =	simm.s32 @!p2 $0x9D00  }
0xa4: {  	[tilespmem:s20], [sflag:$0x1] =	stream.indirect.gather @!p2 [hbm4b:s1+s18], $0x40, s17, s18, $0xb8;
	[tilespmem:$0x18D00] =	vst v63  }
0xa5: {  	s17 =	simm.s32 @!p0 $0x1  }
0xa6: {  	_ =	swait.ge @!p0 [sflag:s17], $0x2000  }
0xa7: {  	[sflag:s17] =	ssyncset.done @!p0 $0x0  }
0xa8: {  	s18 =	simm.s32 @!p0 $0x80;
	[sflag:s17] =	ssyncadd.s32 @!p0 $0xFFFFE000;
	s17 =	simm.s32 @!p0 $0x9D00  }
0xa9: {  	[spmem:s12] =	stream.indirect.scatter.add.f32 @!p0 [tilespmem:s17], [sflag:$0x4], $0x40, s16, s18, $0xb8;
	[tilespmem:$0x18D00] =	vst v63  }
0xaa: {  	s17 =	simm.s32 @!p0 $0x4  }
0xab: {  	_ =	swait.ge @!p0 [sflag:s17], $0x2000  }
0xac: {  	p1 =	por p1, p1;
	[sflag:s17] =	ssyncset.done @!p0 $0x0  }
0xad: {  	s18 =	simm.s32 @p1 $0x2;
	[sflag:s17] =	ssyncadd.s32 @!p0 $0xFFFFE000  }
0xae: {  	_ =	swait.ge @p1 [sflag:s18], $0x2000  }
0xaf: {  	[sflag:s18] =	ssyncset.done @p1 $0x0  }
0xb0: {  	s17 =	simm.s32 @p1 $0x80;
	[sflag:s18] =	ssyncadd.s32 @p1 $0xFFFFE000;
	s18 =	simm.s32 @p1 $0xBD00  }
0xb1: {  	[spmem:s12] =	stream.indirect.scatter.add.f32 @p1 [tilespmem:s18], [sflag:$0x3], $0x40, s16, s17, $0xb8;
	[tilespmem:$0x18D00] =	vst v63  }
0xb2: {  	s16 =	simm.s32 @p1 $0x3  }
0xb3: {  	_ =	swait.ge @p1 [sflag:s16], $0x2000  }
0xb4: {  	[sflag:s16] =	ssyncset.done @p1 $0x0  }
0xb5: {  	[sflag:s16] =	ssyncadd.s32 @p1 $0xFFFFE000  }
0xb6: {  	_ =	swait.ge [sflag:s10], $0x2000  }
0xb7: {  	[sflag:s10] =	ssyncset.done $0x0  }
0xb8: {  	s19 =	simm.s32 $0x9C80;
	s18 =	simm.s32 $0x80;
	[sflag:s10] =	ssyncadd.s32 $0xFFFFE000  }
0xb9: {  	[spmem:s12] =	stream.indirect.scatter.add.f32 [tilespmem:s9], [sflag:$0x4], $0x40, s19, s18, $0xb8;
	[tilespmem:$0x18D00] =	vst v63  }
0xba: {  	_ =	swait.ge [sflag:s13], $0x2000  }
0xbb: {  	[sflag:s13] =	ssyncset.done $0x0  }
0xbc: {  	[sflag:s13] =	ssyncadd.s32 $0xFFFFE000  }
0xbd: {  	s20 =	stileid.u32;
	[bflag:$0x0] =	sbarrier.arrive $0xFFFF  }
0xbe: {  	s16 =	sshll.u32 s20, $0x6;
	s21 =	rddreg [dreg:$0x4]  }
0xbf: {  	s16 =	sor.u32 $0x1C03, s16;
	s22 =	rddreg [dreg:$0x11]  }
0xc0: {  	[hbm:s21], [sflag:s16] =	dma.local [spmem:s22], $0x200  }
0xc1: {  	_ =	swait.ge [sflag:s8], $0x200  }
0xc2: {  	[sflag:s8] =	ssyncset.done $0x0;
	s19 =	rddreg [dreg:$0x5]  }
0xc3: {  	s20 =	rddreg [dreg:$0x12];
	[sflag:s8] =	ssyncadd.s32 $0xFFFFFE00  }
0xc4: {  	[hbm:s19], [sflag:s16] =	dma.local [spmem:s20], $0x200  }
0xc5: {  	_ =	swait.ge [sflag:s8], $0x200  }
0xc6: {  	[sflag:s8] =	ssyncset.done $0x0;
	s21 =	rddreg [dreg:$0x6]  }
0xc7: {  	s22 =	rddreg [dreg:$0x13];
	[sflag:s8] =	ssyncadd.s32 $0xFFFFFE00  }
0xc8: {  	[hbm:s21], [sflag:s16] =	dma.local [spmem:s22], $0x200  }
0xc9: {  	_ =	swait.ge [sflag:s8], $0x200  }
0xca: {  	[sflag:s8] =	ssyncset.done $0x0;
	s19 =	rddreg [dreg:$0x7]  }
0xcb: {  	s20 =	rddreg [dreg:$0x14];
	[sflag:s8] =	ssyncadd.s32 $0xFFFFFE00  }
0xcc: {  	[hbm:s19], [sflag:s16] =	dma.local [spmem:s20], $0x200  }
0xcd: {  	_ =	swait.ge [sflag:s8], $0x200  }
0xce: {  	[sflag:s8] =	ssyncset.done $0x0  }
0xcf: {  	s21 =	rddreg [dreg:$0x8];
	[sflag:s8] =	ssyncadd.s32 $0xFFFFFE00  }
0xd0: {  	[hbm:s21], [sflag:s16] =	dma.local [spmem:s23], $0x200  }
0xd1: {  	_ =	swait.ge [sflag:s8], $0x200  }
0xd2: {  	[sflag:s8] =	ssyncset.done $0x0  }
0xd3: {  	s22 =	rddreg [dreg:$0x9];
	[sflag:s8] =	ssyncadd.s32 $0xFFFFFE00  }
0xd4: {  	[hbm:s22], [sflag:s16] =	dma.local [spmem:s24], $0x200  }
0xd5: {  	_ =	swait.ge [sflag:s8], $0x200  }
0xd6: {  	[sflag:s8] =	ssyncset.done $0x0  }
0xd7: {  	s18 =	rddreg [dreg:$0xa];
	[sflag:s8] =	ssyncadd.s32 $0xFFFFFE00  }
0xd8: {  	[hbm:s18], [sflag:s16] =	dma.local [spmem:s25], $0x200  }
0xd9: {  	_ =	swait.ge [sflag:s8], $0x200  }
0xda: {  	[sflag:s8] =	ssyncset.done $0x0  }
0xdb: {  	s19 =	rddreg [dreg:$0xb];
	[sflag:s8] =	ssyncadd.s32 $0xFFFFFE00  }
0xdc: {  	[hbm:s19], [sflag:s16] =	dma.local [spmem:s26], $0x200  }
0xdd: {  	_ =	swait.ge [sflag:s8], $0x200  }
0xde: {  	[sflag:s8] =	ssyncset.done $0x0  }
0xdf: {  	s20 =	rddreg [dreg:$0xc];
	[sflag:s8] =	ssyncadd.s32 $0xFFFFFE00  }
0xe0: {  	[hbm:s20], [sflag:s16] =	dma.local [spmem:s28], $0x200  }
0xe1: {  	_ =	swait.ge [sflag:s8], $0x200  }
0xe2: {  	[sflag:s8] =	ssyncset.done $0x0  }
0xe3: {  	s21 =	rddreg [dreg:$0xd];
	[sflag:s8] =	ssyncadd.s32 $0xFFFFFE00  }
0xe4: {  	[hbm:s21], [sflag:s16] =	dma.local [spmem:s29], $0x200  }
0xe5: {  	_ =	swait.ge [sflag:s8], $0x200  }
0xe6: {  	s14 =	sadd.s32 $0x1, s14;
	s22 =	rddreg [dreg:$0x10]  }
0xe7: {  	p0 =	sne.s32 s14, s22  }
.Ltmp3:
0xe8: {  	_ = 	snop;
	(pc) =	sbr.rel @p0 .LBB2_1-.Ltmp3, $3  }
0xe9: {  	_ =	sdelay $0x1  }
0xea: {  	[sflag:s8] =	ssyncset.done $0x0  }
0xeb: {  	[sflag:s8] =	ssyncadd.s32 $0xFFFFFE00  }
0xec: {  	_ =	sfence.sel $0x180000  }
0xed: {  	[bflag:$0x0] =	sbarrier.arrive $0xFFFF  }
0xee: {  	_ =	strace $0x9000004A  }
0xef: {  	s0 =	stileid.u32;
	[bflag:$0x2] =	sbarrier.arrive $0xFFFF  }
0xf0: {  	p0 =	sne.s32 s0, $0x0;
	s0 =	rddreg [dreg:$0x3]  }
0xf1: {  	s0 =	sadd.s32 @!p0 $0x100000, s0  }
0xf2: {  	[sflag:s0] =	ssyncadd.tile.s32 @!p0 $0x1;
	_ =	shalt  }
.Lfunc_end2:
_tile_overlayer_lowered:
.L_overlay_start_2:
0xf3: {  	(tag) =	ssettag $0x2  }
0xf4: {  	s0 =	rddreg [dreg:$0x0];
	s2 =	stileid.u32  }
0xf5: {  	s1 =	rddreg [dreg:$0x1];
	p0 =	sne.s32 s2, $0x0  }
0xf6: {  	s3 =	rddreg [dreg:$0x2];
	[bflag:$0x3] =	sbarrier.arrive $0xFFFF;
	s2 =	simm.s32 @!p0 $0x1C03  }
0xf7: {  	[timem:s3], [sflag:s2] =	dma.local @!p0 [hbm:s0], s1  }
0xf8: {  	s0 =	simm.s32 @!p0 $0x3  }
0xf9: {  	_ =	swait.ge @!p0 [sflag:s0], s1  }
0xfa: {  	s1 =	ssub.s32 @!p0 $0x0, s1;
	[sflag:s0] =	ssyncset.done @!p0 $0x0  }
0xfb: {  	[sflag:s0] =	ssyncadd.s32 @!p0 s1  }
0xfc: {  	[bflag:$0x3] =	sbarrier.arrive $0xFFFF  }
0xfd: {  	_ =	shalt  }

// kernel: kernel.7.cloned.1.call-start
scs
__scs_entry_jumppad:
0x0: {  	(pc) =	sbr.rel $0x88, $3  }
0x1: {  	(tag) =	ssettag $0x0;
	lr =	simm.s32 $0x1  }
0x2: {  	[smem:$0x3F94] =	sst lr;
	_ =	strace $0xD0000000  }
0x3: {  	_ = 	snop  }
0x4: {  	_ = 	snop  }
0x5: {  	_ = 	snop  }
0x6: {  	_ = 	snop  }
0x7: {  	_ = 	snop  }
__scs_overlays_trampoline_lowered:
0x8: {  	[smem:$0x3FA3] =	sst s0  }
0x9: {  	[smem:$0x3FA4] =	sst s1  }
0xa: {  	[smem:$0x3FA5] =	sst s2  }
0xb: {  	[smem:$0x3FA6] =	sst s3  }
0xc: {  	[smem:$0x3FA7] =	sst s4  }
0xd: {  	[smem:$0x3FA8] =	sst s5  }
0xe: {  	[smem:$0x3FA9] =	sst s6  }
0xf: {  	[smem:$0x3FAA] =	sst s7  }
0x10: {  	[smem:$0x3FAB] =	sst s8  }
0x11: {  	[smem:$0x3FAC] =	sst s9;
	s0 =	simm.s32 @!p0 $0x0  }
0x12: {  	s1 =	sld [smem:$0x3F92];
	s0 =	simm.s32 @p0 $0x1  }
0x13: {  	[smem:$0x3FAD] =	sst s0;
	s0 =	simm.s32 @!p1 $0x0  }
0x14: {  	s2 =	sld [smem:$0x3F91];
	s0 =	simm.s32 @p1 $0x1  }
0x15: {  	[smem:$0x3FAE] =	sst s0;
	s0 =	simm.s32 @!p2 $0x0  }
0x16: {  	s3 =	sld [smem:$0x3FDB];
	s0 =	simm.s32 @p2 $0x1  }
0x17: {  	s4 =	simm.s32 $0x1BF5;
	[smem:$0x3FB0] =	sst s0  }
0x18: {  	s0 =	sld [smem:$0x3F93];
	_ =	swait.ge [sflag:s4], $0x0  }
0x19: {  	s7 =	sld [smem:$0x3F94]  }
0x1a: {  	s8 =	sadd.s32 $0xFFFFE003, lr  }
0x1b: {  	s9 =	sadd.s32 $0xFFFFFEF7, lr;
	s5 =	simm.s32 $0xFFFFFFFF;
	p2 =	slt.u32 s8, $0xFFFFF086  }
0x1c: {  	p1 =	slt.u32 s9, $0xF7A;
	s5 =	simm.s32 @!p2 $0x0  }
0x1d: {  	s5 =	simm.s32 @p1 $0x1;
	p0 =	seq.s32 s7, s2  }
0x1e: {  	s7 =	smul.u32 @!p0 $0xF7A, s2;
	p2 =	seq.s32 @!p0 s5, $0x0  }
0x1f: {  	s9 =	smul.u32 $0xF7A, s1;
	s8 =	simm.s32 @!p0 $0x1BF5;
	p2 =	por !p2, p0  }
0x20: {  	[sflag:s8] =	ssyncset.s32 @!p0 $0xFFFFF086;
	s6 =	sadd.s32 @!p0 s3, s7;
	s7 =	simm.s32 @!p0 $0x108  }
0x21: {  	s3 =	sadd.s32 s3, s9;
	s6 =	sadd.s32 @!p0 $0x88, s6;
	s7 =	simm.s32 @p2 $0x1082  }
0x22: {  	[simem:s7], [sflag:s8] =	dma.local @!p0 [hbm:s6], $0xF7A  }
0x23: {  	s9 =	sor.u32 $0xD0000000, s2;
	s6 =	simm.s32 $0x108;
	_ =	swait.ge @!p0 [sflag:s8], $0x0  }
0x24: {  	s3 =	sadd.s32 $0x88, s3;
	s6 =	simm.s32 @!p1 $0x1082;
	[sflag:s4] =	ssyncset.s32 $0xFFFFF086  }
0x25: {  	[simem:s6], [sflag:s4] =	dma.local [hbm:s3], $0xF7A  }
0x26: {  	[smem:$0x3F94] =	sst s1;
	(tag) =	ssettag s2;
	_ =	strace s9  }
0x27: {  	s1 =	sld [smem:$0x3FA4]  }
0x28: {  	s2 =	sld [smem:$0x3FA5]  }
0x29: {  	s4 =	sld [smem:$0x3FA7]  }
0x2a: {  	p0 =	seq.s32 s5, $0x0;
	s5 =	sld [smem:$0x3FA8]  }
0x2b: {  	s6 =	sld [smem:$0x3FA9]  }
0x2c: {  	s7 =	sld [smem:$0x3FAA]  }
0x2d: {  	s3 =	simm.s32 $0x108;
	s8 =	sld [smem:$0x3FAB]  }
0x2e: {  	s3 =	simm.s32 @!p0 $0x1082;
	s9 =	sld [smem:$0x3FAC]  }
0x2f: {  	lr =	sadd.s32 s0, s3;
	s0 =	sld [smem:$0x3FA3]  }
0x30: {  	s3 =	sld [smem:$0x3FA6]  }
0x31: {  	[smem:$0x3FAF] =	sst s10  }
0x32: {  	s10 =	sld [smem:$0x3FAD];
	_ =	sdelay $0x3  }
0x33: {  	p0 =	seq.s32 s10, $0x1;
	s10 =	sld [smem:$0x3FAF];
	_ =	sdelay $0x3  }
0x34: {  	[smem:$0x3FAF] =	sst s10  }
0x35: {  	s10 =	sld [smem:$0x3FAE];
	_ =	sdelay $0x3  }
0x36: {  	p1 =	seq.s32 s10, $0x1;
	s10 =	sld [smem:$0x3FAF];
	_ =	sdelay $0x3  }
0x37: {  	[smem:$0x3FAF] =	sst s10  }
0x38: {  	s10 =	sld [smem:$0x3FB0]  }
0x39: {  	_ = 	snop;
	(pc) =	sbr.ind lr, $3  }
0x3a: {  	_ = 	snop  }
0x3b: {  	_ = 	snop  }
0x3c: {  	p2 =	seq.s32 s10, $0x1;
	s10 =	sld [smem:$0x3FAF]  }
0x3d: {  	_ =	shalt  }
0x3e: {  	_ =	shalt  }
0x3f: {  	_ =	shalt  }
0x40: {  	_ =	shalt  }
0x41: {  	_ =	shalt  }
0x42: {  	_ =	shalt  }
0x43: {  	_ =	shalt  }
0x44: {  	_ =	shalt  }
0x45: {  	_ =	shalt  }
0x46: {  	_ =	shalt  }
0x47: {  	_ =	shalt  }
0x48: {  	_ =	shalt  }
0x49: {  	_ =	shalt  }
0x4a: {  	_ =	shalt  }
0x4b: {  	_ =	shalt  }
0x4c: {  	_ =	shalt  }
0x4d: {  	_ =	shalt  }
0x4e: {  	_ =	shalt  }
0x4f: {  	_ =	shalt  }
0x50: {  	_ =	shalt  }
0x51: {  	_ =	shalt  }
0x52: {  	_ =	shalt  }
0x53: {  	_ =	shalt  }
0x54: {  	_ =	shalt  }
0x55: {  	_ =	shalt  }
0x56: {  	_ =	shalt  }
0x57: {  	_ =	shalt  }
0x58: {  	_ =	shalt  }
0x59: {  	_ =	shalt  }
0x5a: {  	_ =	shalt  }
0x5b: {  	_ =	shalt  }
0x5c: {  	_ =	shalt  }
0x5d: {  	_ =	shalt  }
0x5e: {  	_ =	shalt  }
0x5f: {  	_ =	shalt  }
0x60: {  	_ =	shalt  }
0x61: {  	_ =	shalt  }
0x62: {  	_ =	shalt  }
0x63: {  	_ =	shalt  }
0x64: {  	_ =	shalt  }
0x65: {  	_ =	shalt  }
0x66: {  	_ =	shalt  }
0x67: {  	_ =	shalt  }
0x68: {  	_ =	shalt  }
0x69: {  	_ =	shalt  }
0x6a: {  	_ =	shalt  }
0x6b: {  	_ =	shalt  }
0x6c: {  	_ =	shalt  }
0x6d: {  	_ =	shalt  }
0x6e: {  	_ =	shalt  }
0x6f: {  	_ =	shalt  }
0x70: {  	_ =	shalt  }
0x71: {  	_ =	shalt  }
0x72: {  	_ =	shalt  }
0x73: {  	_ =	shalt  }
0x74: {  	_ =	shalt  }
0x75: {  	_ =	shalt  }
0x76: {  	_ =	shalt  }
0x77: {  	_ =	shalt  }
0x78: {  	_ =	shalt  }
0x79: {  	_ =	shalt  }
0x7a: {  	_ =	shalt  }
0x7b: {  	_ =	shalt  }
0x7c: {  	_ =	shalt  }
0x7d: {  	_ =	shalt  }
0x7e: {  	_ =	shalt  }
0x7f: {  	_ =	shalt  }
0x80: {  	_ =	shalt  }
0x81: {  	_ =	shalt  }
0x82: {  	_ =	shalt  }
0x83: {  	_ =	shalt  }
0x84: {  	_ =	shalt  }
0x85: {  	_ =	shalt  }
0x86: {  	_ =	shalt  }
0x87: {  	_ =	shalt  }
.Lfunc_end0:
.L_simem_size_0:
called_computation_lowered:
.L_overlay_start_0:
0x88: {  	s2 =	sld [smem:$0x3FD9]  }
0x89: {  	s3 =	sld [smem:$0x3FFE];
	_ =	sdelay $0x1  }
0x8a: {  	s1 =	srdreg.scid  }
0x8b: {  	s0 =	sand.u32 $0x1, s1  }
0x8c: {  	s14 =	sshll.u32 s0, $0xA;
	s2 =	sadd.s32 s3, s2  }
0x8d: {  	s2 =	sadd.s32 s2, s14  }
0x8e: {  	[smem:$0x3FBB] =	sst s2  }
0x8f: {  	_ = 	snop  }
0x90: {  	s2 =	sld [smem:$0x3FD0];
	_ =	sdelay $0x2  }
0x91: {  	s15 =	simm.s32 $0xA;
	s4 =	simm.s32 $0x10  }
0x92: {  	[smem:s4], [sflag:s15] =	dma.local [hbm:s2], $0x1  }
0x93: {  	_ =	swait.eq [sflag:s15], $0x1  }
0x94: {  	[sflag:s15] =	ssyncset.done $0x0  }
0x95: {  	s16 =	sld [smem:$0x10];
	[sflag:s15] =	ssyncadd.s32 $0xFFFFFFFF  }
0x96: {  	s17 =	sld [smem:$0x11];
	(tm) =	ssettm $0x1  }
0x97: {  	s18 =	sld [smem:$0x3FFB];
	_ =	sdelay $0x3  }
0x98: {  	_ =	strace s18  }
0x99: {  	s4 =	sld [smem:$0x3FFC];
	_ =	sdelay $0x3  }
0x9a: {  	_ =	strace s4  }
0x9b: {  	s4 =	sld [smem:$0x3FFD];
	_ =	sdelay $0x3  }
0x9c: {  	_ =	strace s4  }
0x9d: {  	_ =	strace $0x8FFFFFFF  }
0x9e: {  	s19 =	sld [smem:$0x3FDB];
	_ =	sdelay $0x1  }
0x9f: {  	s5 =	simm.s32 $_scs_section_size  }
0xa0: {  	s6 =	simm.s32 $_size__tile_overlayer_lowered;
	s7 =	simm.s32 $_tile_overlayer_lowered  }
0xa1: {  	s22 =	simm.s32 $0x1BFF;
	s21 =	sshll.u32 s7, $0x1;
	s4 =	sadd.s32 s5, s19  }
0xa2: {  	s8 =	simm.s32 $0x0;
	s20 =	sshll.u32 s6, $0x1;
	s6 =	sadd.s32 s21, s4  }
0xa3: {  	[timem:s8], [sflag:s22] =	dma.local [hbm:s6], s20  }
0xa4: {  	_ =	swait.ge [sflag:s22], s20  }
0xa5: {  	s5 =	ssub.s32 $0x0, s20;
	[sflag:s22] =	ssyncset.done $0x0  }
0xa6: {  	[sflag:s22] =	ssyncadd.s32 s5;
	_ =	sdelay $0x1  }
0xa7: {  	s23 =	simm.s32 $0x1B8B  }
0xa8: {  	_ =	swait.ge [sflag:s23], $0x1  }
0xa9: {  	[sflag:s23] =	ssyncset.done $0x0  }
0xaa: {  	s25 =	simm.s32 $0x1B8E;
	s24 =	sld [smem:$0x3FFE];
	[sflag:s23] =	ssyncadd.s32 $0xFFFFFFFF  }
0xab: {  	s26 =	simm.s32 $execute0_lowered;
	[smem:$0x3FD2] =	sst s25  }
0xac: {  	s6 =	sshll.u32 s26, $0x1;
	_ =	strace $0x80000046;
	[dreg:$0x1] =	wrdreg $0xFFFFFFFF  }
0xad: {  	s28 =	simm.s32 $_size_execute0_lowered;
	s4 =	sadd.s32 s4, s6;
	[dreg:$0x0] =	wrdreg $0x0  }
0xae: {  	s6 =	sshll.u32 s28, $0x1;
	[dreg:$0x2] =	wrdreg s4  }
0xaf: {  	[dreg:$0x3] =	wrdreg s6  }
0xb0: {  	[dreg:$0x4] =	wrdreg $0xC0  }
0xb1: {  	_ =	task [dreg:s8], $0x5FFFF  }
0xb2: {  	[dreg:$0x1] =	wrdreg $0xFFFFFFFF  }
0xb3: {  	[dreg:$0x0] =	wrdreg $0x60  }
0xb4: {  	[dreg:$0x2] =	wrdreg s16  }
0xb5: {  	[dreg:$0x3] =	wrdreg s17  }
0xb6: {  	[dreg:$0x4] =	wrdreg s24  }
0xb7: {  	[dreg:$0x5] =	wrdreg $0xED000  }
0xb8: {  	[dreg:$0x6] =	wrdreg $0x9  }
0xb9: {  	_ =	task.clear_ibuf [dreg:s8], $0x7FFFF;
	_ =	strace $0x90000046  }
0xba: {  	s29 =	simm.s32 $0x9;
	_ =	strace $0x80000048  }
0xbb: {  	_ =	swait.ge [sflag:s29], $0x1  }
0xbc: {  	[sflag:s29] =	ssyncadd.s32 $0xFFFFFFFF  }
0xbd: {  	_ =	strace $0x90000048  }
0xbe: {  	_ =	sfence  }
0xbf: {  	s30 =	sld [smem:$0x0];
	_ =	sdelay $0x2  }
0xc0: {  	s31 =	sshll.u32 s1, $0xD;
	s1 =	sshrl.u32 s1, $0x2  }
0xc1: {  	s3 =	sand.u32 $0x4000, s31;
	s1 =	sadd.s32 s1, s30  }
0xc2: {  	s0 =	sor.u32 s3, s0;
	s1 =	sshll.u32 s1, $0x11  }
0xc3: {  	s0 =	sor.u32 s1, s0  }
0xc4: {  	s0 =	sadd.s32 $0x8F2B, s0  }
0xc5: {  	[sflag:s0] =	ssyncadd.remote.s32 $0x1  }
0xc6: {  	_ =	sfence.sel $0xFFFF  }
0xc7: {  	[dreg:$0x0] =	wrdreg $0xFFFFFFFF;
	(pc) =	sbr.abs _section_cstart, $3  }
0xc8: {  	[dreg:$0x1] =	wrdreg $0xFFFFFFFF  }
0xc9: {  	_ =	task.clear_ibuf [dreg:s8], $0x2FFFF;
	_ =	strace $0x9FFFFFFF  }
0xca: {  	(tm) =	ssettm $0x7FFFFFFF  }
0xcb: {  	_ =	shalt  }
tec
execute0_lowered:
.L_overlay_start_1:
0x0: {  	(tag) =	ssettag $0x1  }
0x1: {  	s1 =	rddreg [dreg:$0x0]  }
0x2: {  	s0 =	rddreg [dreg:$0x1]  }
0x3: {  	s2 =	rddreg [dreg:$0x2];
	s7 =	stileid.u32  }
0x4: {  	s3 =	rddreg [dreg:$0x3];
	s4 =	smul.u32 $0x9D0, s7  }
0x5: {  	s5 =	srdreg.scid;
	s6 =	simm.s32 $0x0;
	s13 =	smul.u32 $0x14000, s7  }
0x6: {  	s28 =	simm.s32 $0x1;
	s25 =	sand.u32 $0x1, s5;
	s15 =	smul.u32 $0x5000, s7  }
0x7: {  	s31 =	simm.s32 $0x4;
	[smem:$0x7FF] =	sst s6;
	s16 =	smul.u32 $0x50000, s25  }
0x8: {  	_ =	strace $0x80000047;
	s14 =	ssub.s32 $0x2, s25;
	s17 =	sadd.s32 s4, s2  }
0x9: {  	s2 =	sadd.s32 $0xC600, s2;
	s8 =	sshrl.u32 s14, $0x1;
	s5 =	sshrl.u32 s13, $0x2  }
0xa: {  	s0 =	sadd.s32 s0, s4;
	s21 =	sadd.s32 $0x1000, s15;
	s9 =	ssub.s32 s14, s8  }
0xb: {  	s18 =	sadd.s32 s16, s15;
	s5 =	sadd.s32 s5, s3;
	[dreg:$0x5] =	wrdreg s0  }
0xc: {  	s20 =	sadd.s32 $0x2800, s17;
	s22 =	sadd.s32 s16, s21;
	s17 =	sadd.s32 $0x2000, s15  }
0xd: {  	s19 =	sshrl.u32 s18, $0x3;
	[dreg:$0x6] =	wrdreg s20;
	s9 =	smax.u32 s9, $0x1  }
0xe: {  	s10 =	sadd.s32 $0x1000, s5;
	s11 =	sadd.s32 $0x2000, s5;
	s12 =	sadd.s32 $0x3000, s5  }
0xf: {  	s13 =	sadd.s32 $0x4000, s5;
	s20 =	sadd.s32 s15, s3;
	s4 =	sshrl.u32 s22, $0x3  }
0x10: {  	s23 =	sadd.s32 s16, s17;
	s18 =	sadd.s32 $0x3000, s15;
	s22 =	sadd.s32 s17, s3  }
0x11: {  	s0 =	sadd.s32 s2, s19;
	s14 =	sadd.s32 s2, s4;
	s4 =	sshrl.u32 s23, $0x3  }
0x12: {  	s19 =	sadd.s32 $0x4000, s15;
	s24 =	sadd.s32 s16, s18;
	s29 =	sadd.s32 s18, s3  }
0x13: {  	s18 =	simm.s32 $0xDD00;
	s20 =	sshrl.u32 s20, $0x3;
	s22 =	sshrl.u32 s22, $0x3  }
0x14: {  	[dreg:$0x7] =	wrdreg s0;
	s0 =	sadd.s32 s21, s3;
	s15 =	sadd.s32 s2, s4  }
0x15: {  	s16 =	sadd.s32 s16, s19;
	s4 =	sshrl.u32 s24, $0x3;
	s30 =	sadd.s32 s19, s3  }
0x16: {  	s19 =	simm.s32 $0x3;
	s23 =	sshrl.u32 s29, $0x3;
	s26 =	sshrl.u32 s16, $0x3  }
0x17: {  	s16 =	sadd.s32 s2, s4;
	s21 =	sshrl.u32 s0, $0x3;
	s24 =	sshrl.u32 s30, $0x3  }
0x18: {  	v1 =	vimm.f32 $0.0e+00;
	v0 =	vmov s25;
	s0 =	simm.s32 $0x0;
	s17 =	sadd.s32 s2, s26;
	s26 =	simm.s32 $0x9D00  }
.LBB2_1:
0x19: {  	s4 =	simm.s32 $0x100;
	s2 =	simm.s32 $0x0  }
.LBB2_2:
0x1a: {  	p0 =	sne.s32 s4, $0x3F00;
	[tilespmem:s2+$0xDD30] =	vst v1;
	s25 =	smov.u32 s4;
	s4 =	sadd.s32 $0x100, s4  }
.Ltmp0:
0x1b: {  	[tilespmem:s2+$0xDD20] =	vst v1;
	(pc) =	sbr.rel @p0 .LBB2_2-.Ltmp0, $3  }
0x1c: {  	[tilespmem:s2+$0xDD00] =	vst v1  }
0x1d: {  	[tilespmem:s2+$0xDD10] =	vst v1;
	_ =	sdelay $0x1  }
0x1e: {  	s2 =	sshra.s32 s25, $0x2  }
0x1f: {  	[tilespmem:s2+$0xDD30] =	vst v1  }
0x20: {  	[tilespmem:s2+$0xDD20] =	vst v1  }
0x21: {  	[tilespmem:s2+$0xDD00] =	vst v1  }
0x22: {  	[tilespmem:s2+$0xDD10] =	vst v1  }
0x23: {  	[spmem:s5] =	stream.linear.scatter [tilespmem:s18], [sflag:$0x3], $0x1000, $0x38;
	[tilespmem:$0x13D00] =	vst v63  }
0x24: {  	_ =	swait.ge [sflag:s19], $0x1000  }
0x25: {  	[sflag:s19] =	ssyncset.done $0x0  }
0x26: {  	[sflag:s19] =	ssyncadd.s32 $0xFFFFF000  }
0x27: {  	[spmem:s10] =	stream.linear.scatter [tilespmem:s18], [sflag:$0x3], $0x1000, $0x38;
	[tilespmem:$0x13D00] =	vst v63  }
0x28: {  	_ =	swait.ge [sflag:s19], $0x1000  }
0x29: {  	[sflag:s19] =	ssyncset.done $0x0  }
0x2a: {  	[sflag:s19] =	ssyncadd.s32 $0xFFFFF000  }
0x2b: {  	[spmem:s11] =	stream.linear.scatter [tilespmem:s18], [sflag:$0x3], $0x1000, $0x38;
	[tilespmem:$0x13D00] =	vst v63  }
0x2c: {  	_ =	swait.ge [sflag:s19], $0x1000  }
0x2d: {  	[sflag:s19] =	ssyncset.done $0x0  }
0x2e: {  	[sflag:s19] =	ssyncadd.s32 $0xFFFFF000  }
0x2f: {  	[spmem:s12] =	stream.linear.scatter [tilespmem:s18], [sflag:$0x3], $0x1000, $0x38;
	[tilespmem:$0x13D00] =	vst v63  }
0x30: {  	_ =	swait.ge [sflag:s19], $0x1000  }
0x31: {  	[sflag:s19] =	ssyncset.done $0x0  }
0x32: {  	[sflag:s19] =	ssyncadd.s32 $0xFFFFF000  }
0x33: {  	[spmem:s13] =	stream.linear.scatter [tilespmem:s18], [sflag:$0x3], $0x1000, $0x38;
	[tilespmem:$0x13D00] =	vst v63  }
0x34: {  	_ =	swait.ge [sflag:s19], $0x1000  }
0x35: {  	[sflag:s19] =	ssyncset.done $0x0  }
0x36: {  	s29 =	simm.s32 $0x0;
	s4 =	rddreg [dreg:$0x5];
	[sflag:s19] =	ssyncadd.s32 $0xFFFFF000  }
0x37: {  	[tilespmem:s29], [sflag:$0x3] =	stream.linear.gather [hbm4b:s4+s29], $0x4E80, $0x38;
	[tilespmem:$0x13D00] =	vst v63  }
0x38: {  	_ =	swait.ge [sflag:s19], $0x4E80  }
0x39: {  	[sflag:s19] =	ssyncset.done $0x0  }
0x3a: {  	s6 =	simm.s32 $0x4E80;
	s30 =	rddreg [dreg:$0x6];
	[sflag:s19] =	ssyncadd.s32 $0xFFFFB180  }
0x3b: {  	[tilespmem:s6], [sflag:$0x3] =	stream.linear.gather [hbm4b:s30+s29], $0x4E80, $0x38;
	[tilespmem:$0x13D00] =	vst v63  }
0x3c: {  	_ =	swait.ge [sflag:s19], $0x4E80  }
0x3d: {  	[sflag:s19] =	ssyncset.done $0x0  }
0x3e: {  	s2 =	simm.s32 $0x70;
	[sflag:s19] =	ssyncadd.s32 $0xFFFFB180  }
0x3f: {  	v4 =	vld [tilespmem:s2+$0xFFFFFF90]  }
0x40: {  	v6 =	vld [tilespmem:s2+$0xFFFFFFA0]  }
0x41: {  	v5 =	vld [tilespmem:s2+$0xFFFFFFB0]  }
0x42: {  	v3 =	vld [tilespmem:s2+$0xFFFFFFC0]  }
0x43: {  	v2 =	vld [tilespmem:s2+$0xFFFFFFD0]  }
0x44: {  	s25 =	simm.s32 $0x3C0;
	v7 =	vadd.s32 v0, v4;
	v4 =	vld [tilespmem:s2+$0xFFFFFFE0]  }
.LBB2_4:
0x45: {  	p0 =	sne.s32 s25, $0x139C0;
	[tilespmem:s2+$0xFFFFFF90] =	vst v7;
	v6 =	vadd.s32 v0, v6;
	v7 =	vld [tilespmem:s2+$0x0]  }
0x46: {  	s4 =	sshra.s32 s25, $0x2;
	[tilespmem:s2+$0xFFFFFFA0] =	vst v6;
	v5 =	vadd.s32 v0, v5;
	v8 =	vld [tilespmem:s2+$0xFFFFFFF0]  }
0x47: {  	v9 =	vld [tilespmem:s4+$0xFFFFFF90];
	[tilespmem:s2+$0xFFFFFFB0] =	vst v5;
	v3 =	vadd.s32 v0, v3  }
.Ltmp1:
0x48: {  	v6 =	vld [tilespmem:s4+$0xFFFFFFA0];
	[tilespmem:s2+$0xFFFFFFC0] =	vst v3;
	v2 =	vadd.s32 v0, v2;
	(pc) =	sbr.rel @p0 .LBB2_4-.Ltmp1, $4  }
0x49: {  	v5 =	vld [tilespmem:s4+$0xFFFFFFB0];
	[tilespmem:s2+$0xFFFFFFD0] =	vst v2;
	v2 =	vadd.s32 v0, v4  }
0x4a: {  	v3 =	vld [tilespmem:s4+$0xFFFFFFC0];
	[tilespmem:s2+$0xFFFFFFE0] =	vst v2;
	v4 =	vadd.s32 v0, v7  }
0x4b: {  	v2 =	vld [tilespmem:s4+$0xFFFFFFD0];
	v8 =	vadd.s32 v0, v8;
	[tilespmem:s2+$0x0] =	vst v4  }
0x4c: {  	s25 =	sadd.s32 $0x200, s25;
	v7 =	vadd.s32 v0, v9;
	v4 =	vld [tilespmem:s4+$0xFFFFFFE0];
	[tilespmem:s2+$0xFFFFFFF0] =	vst v8;
	s2 =	smov.u32 s4  }
0x4d: {  	[tilespmem:s2+$0xFFFFFF90] =	vst v7;
	v6 =	vadd.s32 v0, v6;
	v62 =	vld [tilespmem:s2+$0x0]  }
0x4e: {  	v63 =	vld [tilespmem:s2+$0xFFFFFFF0];
	[tilespmem:s2+$0xFFFFFFA0] =	vst v6;
	v5 =	vadd.s32 v0, v5  }
0x4f: {  	[tilespmem:s2+$0xFFFFFFB0] =	vst v5;
	v3 =	vadd.s32 v0, v3  }
0x50: {  	[tilespmem:s2+$0xFFFFFFC0] =	vst v3;
	v2 =	vadd.s32 v0, v2  }
0x51: {  	[tilespmem:s2+$0xFFFFFFD0] =	vst v2;
	v2 =	vadd.s32 v0, v4  }
0x52: {  	[tilespmem:s2+$0xFFFFFFE0] =	vst v2;
	v2 =	vadd.s32 v0, v62  }
0x53: {  	v3 =	vadd.s32 v0, v63;
	[tilespmem:s2+$0x0] =	vst v2  }
0x54: {  	[tilespmem:s2+$0xFFFFFFF0] =	vst v3  }
0x55: {  	s4 =	simm.s32 $0x0;
	s2 =	simm.s32 $0x80;
	[bflag:$0x0] =	sbarrier.arrive $0xFFFF  }
0x56: {  	[tilespmem:s26], [sflag:$0x1] =	stream.indirect.gather [hbm4b:s1+s2], $0x40, s4, s2, $0xb8;
	[tilespmem:$0x13D00] =	vst v63  }
0x57: {  	s4 =	sand.u32 $0x1, s4  }
0x58: {  	p0 =	seq.s32 s4, $0x1  }
0x59: {  	p2 =	seq.s32 s4, $0x0;
	s25 =	simm.s32 @!p0 $0x80;
	s29 =	simm.s32 @!p0 $0xBD00  }
0x5a: {  	[tilespmem:s29], [sflag:$0x2] =	stream.indirect.gather @!p0 [hbm4b:s1+s25], $0x40, s2, s25, $0xb8;
	[tilespmem:$0x13D00] =	vst v63  }
0x5b: {  	p1 =	sne.s32 s4, $0x0;
	s25 =	simm.s32 @!p2 $0x80;
	s29 =	simm.s32 @!p2 $0x9D00  }
0x5c: {  	[tilespmem:s29], [sflag:$0x1] =	stream.indirect.gather @!p2 [hbm4b:s1+s25], $0x40, s2, s25, $0xb8;
	[tilespmem:$0x13D00] =	vst v63  }
0x5d: {  	s2 =	simm.s32 @!p1 $0x1  }
0x5e: {  	_ =	swait.ge @!p1 [sflag:s2], $0x2000  }
0x5f: {  	s4 =	simm.s32 $0x4E80;
	s25 =	simm.s32 @!p1 $0x80;
	[sflag:s2] =	ssyncset.done @!p1 $0x0  }
0x60: {  	s29 =	simm.s32 @!p1 $0x9D00;
	[sflag:s2] =	ssyncadd.s32 @!p1 $0xFFFFE000;
	s2 =	simm.s32 @!p1 $0x4  }
0x61: {  	[spmem:s3] =	stream.indirect.scatter.add.f32 @!p1 [tilespmem:s29], [sflag:$0x4], $0x40, s4, s25, $0xb8;
	[tilespmem:$0x13D00] =	vst v63  }
0x62: {  	_ =	swait.ge @!p1 [sflag:s2], $0x2000  }
0x63: {  	p0 =	por p0, p0;
	[sflag:s2] =	ssyncset.done @!p1 $0x0  }
0x64: {  	s25 =	simm.s32 @p0 $0x2;
	[sflag:s2] =	ssyncadd.s32 @!p1 $0xFFFFE000  }
0x65: {  	_ =	swait.ge @p0 [sflag:s25], $0x2000  }
0x66: {  	s8 =	simm.s32 $0x1;
	[sflag:s25] =	ssyncset.done @p0 $0x0  }
0x67: {  	s30 =	simm.s32 @p0 $0xBD00;
	s29 =	simm.s32 @p0 $0x80;
	[sflag:s25] =	ssyncadd.s32 @p0 $0xFFFFE000  }
0x68: {  	[spmem:s3] =	stream.indirect.scatter.add.f32 @p0 [tilespmem:s30], [sflag:$0x3], $0x40, s4, s29, $0xb8;
	[tilespmem:$0x13D00] =	vst v63  }
0x69: {  	s2 =	simm.s32 $0x4F00;
	s25 =	simm.s32 $0x100;
	s4 =	simm.s32 @p0 $0x3  }
0x6a: {  	s29 =	simm.s32 $0x2;
	s30 =	sand.u32 $0x1, s8;
	_ =	swait.ge @p0 [sflag:s4], $0x2000  }
.LBB2_6:
0x6b: {  	p3 =	seq.s32 s30, $0x1;
	p1 =	seq.s32 s30, $0x0;
	[sflag:s4] =	ssyncset.done @p0 $0x0  }
0x6c: {  	s6 =	simm.s32 @!p3 $0x80;
	s7 =	simm.s32 @!p3 $0xBD00;
	[sflag:s4] =	ssyncadd.s32 @p0 $0xFFFFE000  }
0x6d: {  	[tilespmem:s7], [sflag:$0x2] =	stream.indirect.gather @!p3 [hbm4b:s1+s6], $0x40, s25, s6, $0xb8;
	[tilespmem:$0x13D00] =	vst v63  }
0x6e: {  	p2 =	sne.s32 s30, $0x0;
	s4 =	simm.s32 @!p1 $0x80;
	s6 =	simm.s32 @!p1 $0x9D00  }
0x6f: {  	[tilespmem:s6], [sflag:$0x1] =	stream.indirect.gather @!p1 [hbm4b:s1+s4], $0x40, s25, s4, $0xb8;
	[tilespmem:$0x13D00] =	vst v63  }
0x70: {  	s4 =	simm.s32 @!p2 $0x1;
	s6 =	smov.u32 s29;
	s29 =	sadd.s32 $0x1, s29  }
0x71: {  	p0 =	por p3, p3;
	p1 =	sne.s32 s29, $0x9C;
	_ =	swait.ge @!p2 [sflag:s4], $0x2000  }
0x72: {  	s30 =	simm.s32 @!p2 $0x9D00;
	s7 =	simm.s32 @!p2 $0x80;
	[sflag:s4] =	ssyncset.done @!p2 $0x0  }
0x73: {  	[sflag:s4] =	ssyncadd.s32 @!p2 $0xFFFFE000;
	s4 =	simm.s32 @!p2 $0x4  }
0x74: {  	[spmem:s3] =	stream.indirect.scatter.add.f32 @!p2 [tilespmem:s30], [sflag:$0x4], $0x40, s2, s7, $0xb8;
	[tilespmem:$0x13D00] =	vst v63  }
0x75: {  	_ =	swait.ge @!p2 [sflag:s4], $0x2000  }
0x76: {  	s7 =	simm.s32 @p0 $0x2;
	[sflag:s4] =	ssyncset.done @!p2 $0x0  }
0x77: {  	[sflag:s4] =	ssyncadd.s32 @!p2 $0xFFFFE000  }
.Ltmp2:
0x78: {  	_ =	swait.ge @p0 [sflag:s7], $0x2000;
	(pc) =	sbr.rel @p1 .LBB2_6-.Ltmp2, $4  }
0x79: {  	s8 =	simm.s32 @p0 $0xBD00;
	s30 =	simm.s32 @p0 $0x80;
	[sflag:s7] =	ssyncset.done @p0 $0x0  }
0x7a: {  	s25 =	sadd.s32 $0x80, s25;
	s4 =	simm.s32 @p0 $0x3;
	[sflag:s7] =	ssyncadd.s32 @p0 $0xFFFFE000  }
0x7b: {  	[spmem:s3] =	stream.indirect.scatter.add.f32 @p0 [tilespmem:s8], [sflag:$0x3], $0x40, s2, s30, $0xb8;
	[tilespmem:$0x13D00] =	vst v63  }
0x7c: {  	s30 =	sand.u32 $0x1, s6;
	s2 =	sadd.s32 $0x80, s2;
	_ =	swait.ge @p0 [sflag:s4], $0x2000  }
0x7d: {  	p1 =	seq.s32 s30, $0x1;
	p2 =	seq.s32 s30, $0x0;
	[sflag:s4] =	ssyncset.done @p0 $0x0  }
0x7e: {  	s6 =	simm.s32 @!p1 $0x80;
	[sflag:s4] =	ssyncadd.s32 @p0 $0xFFFFE000;
	s4 =	simm.s32 @!p1 $0xBD00  }
0x7f: {  	[tilespmem:s4], [sflag:$0x2] =	stream.indirect.gather @!p1 [hbm4b:s1+s6], $0x40, s25, s6, $0xb8;
	[tilespmem:$0x13D00] =	vst v63  }
0x80: {  	p0 =	sne.s32 s30, $0x0;
	s4 =	simm.s32 @!p2 $0x80;
	s6 =	simm.s32 @!p2 $0x9D00  }
0x81: {  	[tilespmem:s6], [sflag:$0x1] =	stream.indirect.gather @!p2 [hbm4b:s1+s4], $0x40, s25, s4, $0xb8;
	[tilespmem:$0x13D00] =	vst v63  }
0x82: {  	s4 =	simm.s32 @!p0 $0x1  }
0x83: {  	_ =	swait.ge @!p0 [sflag:s4], $0x2000  }
0x84: {  	[sflag:s4] =	ssyncset.done @!p0 $0x0  }
0x85: {  	s6 =	simm.s32 @!p0 $0x80;
	[sflag:s4] =	ssyncadd.s32 @!p0 $0xFFFFE000;
	s4 =	simm.s32 @!p0 $0x9D00  }
0x86: {  	[spmem:s3] =	stream.indirect.scatter.add.f32 @!p0 [tilespmem:s4], [sflag:$0x4], $0x40, s2, s6, $0xb8;
	[tilespmem:$0x13D00] =	vst v63  }
0x87: {  	s4 =	simm.s32 @!p0 $0x4  }
0x88: {  	_ =	swait.ge @!p0 [sflag:s4], $0x2000  }
0x89: {  	p1 =	por p1, p1;
	[sflag:s4] =	ssyncset.done @!p0 $0x0  }
0x8a: {  	s6 =	simm.s32 @p1 $0x2;
	[sflag:s4] =	ssyncadd.s32 @!p0 $0xFFFFE000  }
0x8b: {  	_ =	swait.ge @p1 [sflag:s6], $0x2000  }
0x8c: {  	[sflag:s6] =	ssyncset.done @p1 $0x0  }
0x8d: {  	s4 =	simm.s32 @p1 $0x80;
	[sflag:s6] =	ssyncadd.s32 @p1 $0xFFFFE000;
	s6 =	simm.s32 @p1 $0xBD00  }
0x8e: {  	[spmem:s3] =	stream.indirect.scatter.add.f32 @p1 [tilespmem:s6], [sflag:$0x3], $0x40, s2, s4, $0xb8;
	[tilespmem:$0x13D00] =	vst v63  }
0x8f: {  	s2 =	simm.s32 @p1 $0x3  }
0x90: {  	_ =	swait.ge @p1 [sflag:s2], $0x2000  }
0x91: {  	[sflag:s2] =	ssyncset.done @p1 $0x0  }
0x92: {  	[sflag:s2] =	ssyncadd.s32 @p1 $0xFFFFE000  }
0x93: {  	_ =	swait.ge [sflag:s28], $0x2000  }
0x94: {  	[sflag:s28] =	ssyncset.done $0x0  }
0x95: {  	s8 =	simm.s32 $0x80;
	s25 =	simm.s32 $0x9C80;
	[sflag:s28] =	ssyncadd.s32 $0xFFFFE000  }
0x96: {  	[spmem:s3] =	stream.indirect.scatter.add.f32 [tilespmem:s26], [sflag:$0x4], $0x40, s25, s8, $0xb8;
	[tilespmem:$0x13D00] =	vst v63  }
0x97: {  	_ =	swait.ge [sflag:s31], $0x2000  }
0x98: {  	[sflag:s31] =	ssyncset.done $0x0  }
0x99: {  	s29 =	stileid.u32;
	[sflag:s31] =	ssyncadd.s32 $0xFFFFE000  }
0x9a: {  	s2 =	sshll.u32 s29, $0x6;
	[bflag:$0x0] =	sbarrier.arrive $0xFFFF  }
0x9b: {  	s2 =	sor.u32 $0x1C03, s2;
	s30 =	rddreg [dreg:$0x7]  }
0x9c: {  	[hbm:s30], [sflag:s2] =	dma.local [spmem:s20], $0x200  }
0x9d: {  	_ =	swait.ge [sflag:s19], $0x200  }
0x9e: {  	[sflag:s19] =	ssyncset.done $0x0  }
0x9f: {  	[sflag:s19] =	ssyncadd.s32 $0xFFFFFE00  }
0xa0: {  	[hbm:s14], [sflag:s2] =	dma.local [spmem:s21], $0x200  }
0xa1: {  	_ =	swait.ge [sflag:s19], $0x200  }
0xa2: {  	[sflag:s19] =	ssyncset.done $0x0  }
0xa3: {  	[sflag:s19] =	ssyncadd.s32 $0xFFFFFE00  }
0xa4: {  	[hbm:s15], [sflag:s2] =	dma.local [spmem:s22], $0x200  }
0xa5: {  	_ =	swait.ge [sflag:s19], $0x200  }
0xa6: {  	[sflag:s19] =	ssyncset.done $0x0  }
0xa7: {  	[sflag:s19] =	ssyncadd.s32 $0xFFFFFE00  }
0xa8: {  	[hbm:s16], [sflag:s2] =	dma.local [spmem:s23], $0x200  }
0xa9: {  	s0 =	sadd.s32 $0x1, s0;
	_ =	swait.ge [sflag:s19], $0x200  }
0xaa: {  	p0 =	sne.s32 s0, s9;
	[sflag:s19] =	ssyncset.done $0x0  }
.Ltmp3:
0xab: {  	[sflag:s19] =	ssyncadd.s32 $0xFFFFFE00;
	(pc) =	sbr.rel @p0 .LBB2_1-.Ltmp3, $4  }
0xac: {  	[hbm:s17], [sflag:s2] =	dma.local [spmem:s24], $0x200  }
0xad: {  	_ =	swait.ge [sflag:s19], $0x200  }
0xae: {  	[sflag:s19] =	ssyncset.done $0x0  }
0xaf: {  	[sflag:s19] =	ssyncadd.s32 $0xFFFFFE00  }
0xb0: {  	_ =	sfence.sel $0x180000  }
0xb1: {  	[bflag:$0x0] =	sbarrier.arrive $0xFFFF  }
0xb2: {  	_ =	strace $0x90000047  }
0xb3: {  	s0 =	stileid.u32;
	[bflag:$0x2] =	sbarrier.arrive $0xFFFF  }
0xb4: {  	p0 =	sne.s32 s0, $0x0;
	s0 =	rddreg [dreg:$0x4]  }
0xb5: {  	s0 =	sadd.s32 @!p0 $0x100000, s0  }
0xb6: {  	[sflag:s0] =	ssyncadd.tile.s32 @!p0 $0x1;
	_ =	shalt  }
.Lfunc_end2:
_tile_overlayer_lowered:
.L_overlay_start_2:
0xb7: {  	(tag) =	ssettag $0x2  }
0xb8: {  	s0 =	rddreg [dreg:$0x0];
	s2 =	stileid.u32  }
0xb9: {  	s1 =	rddreg [dreg:$0x1];
	p0 =	sne.s32 s2, $0x0  }
0xba: {  	s3 =	rddreg [dreg:$0x2];
	[bflag:$0x3] =	sbarrier.arrive $0xFFFF;
	s2 =	simm.s32 @!p0 $0x1C03  }
0xbb: {  	[timem:s3], [sflag:s2] =	dma.local @!p0 [hbm:s0], s1  }
0xbc: {  	s0 =	simm.s32 @!p0 $0x3  }
0xbd: {  	_ =	swait.ge @!p0 [sflag:s0], s1  }
0xbe: {  	s1 =	ssub.s32 @!p0 $0x0, s1;
	[sflag:s0] =	ssyncset.done @!p0 $0x0  }
0xbf: {  	[sflag:s0] =	ssyncadd.s32 @!p0 s1  }
0xc0: {  	[bflag:$0x3] =	sbarrier.arrive $0xFFFF  }
0xc1: {  	_ =	shalt  }

</sc_bundles>
